<compile_context>
chip_gen: v7x
topology: tpu7x:2x2x1
jax: 0.10.2.dev20260603
libtpu: 0.0.44.dev20260713+nightly
codegen_flags: <defaults>
</compile_context>

<pallas_src>
import functools

import jax
import jax.numpy as jnp
from jax import lax
from jax.experimental import pallas as pl
from jax.experimental.pallas import tpu as pltpu
from jax.experimental.pallas import tpu_sc as plsc

_N_MIRNA = 495
_N_DIS = 383
_N = 878
_NP = 896
_F = 256
_E = 28096
_NC = 2
_NS = 16
_SENT = _NP - 1
_W0 = 512
_W1 = _NP - _W0
_EPT = 1792
_EP2 = _NS * _EPT
_Z0 = _NP * _W0 // _NS
_Z1 = _NP * _W1 // _NS
_ZC = 7168


def _adj_counts_kernel(edge_hbm, out_hbm, e_v, idx_v, ones_v, z_v, acc_sh,
                       sem):
    c = lax.axis_index("c")
    s = lax.axis_index("s")
    base = s * _EPT
    w = 512 - 128 * c
    @pl.loop(0, _ZC, step=16)
    def _(i):
        z_v[pl.ds(i, 16)] = jnp.zeros((16,), jnp.float32)
    zbase = s * (_Z0 - 7168 * c)
    zdma = [pltpu.async_copy(z_v, acc_sh.at[pl.ds(zbase + q * _ZC, _ZC)],
                             sem) for q in range(3)]

    @pl.loop(0, 128, step=16)
    def _(i):
        ones_v[pl.ds(i, 16)] = jnp.ones((16,), jnp.float32)

    @pl.when(c == 0)
    def _():
        pltpu.sync_copy(z_v, acc_sh.at[pl.ds(zbase + 3 * _ZC, _ZC)])

    pltpu.sync_copy(edge_hbm.at[pl.ds(0, 2), pl.ds(base, _EPT)], e_v)

    lane = lax.iota(jnp.int32, 16)
    sent = _SENT * w + s * 16 + lane
    for j in range(14):
        @pl.loop(0, 128, step=16)
        def _(k, j=j):
            e = j * 128 + k
            d16 = e_v[1, pl.ds(e, 16)]
            local = e_v[0, pl.ds(e, 16)] - 512 * c
            valid = (local >= 0) & (local < w)
            idx_v[j, pl.ds(k, 16)] = jnp.where(valid, d16 * w + local, sent)

    for h in zdma:
        h.wait()
    plsc.subcore_barrier()
    sdma = [pltpu.async_copy(ones_v, acc_sh.at[idx_v.at[j]], sem, add=True)
            for j in range(14)]
    for h in sdma:
        h.wait()
    plsc.subcore_barrier()
    @pl.when(c == 0)
    def _():
        pltpu.sync_copy(acc_sh.at[pl.ds(s * _Z0, _Z0)], out_hbm.at[0, s])

    @pl.when(c == 1)
    def _():
        pltpu.sync_copy(acc_sh.at[pl.ds(s * _Z1, _Z1)],
                        out_hbm.at[1, s, pl.ds(0, _Z1)])


@functools.cache
def _adj_counts():
    mesh = plsc.VectorSubcoreMesh(core_axis_name="c", subcore_axis_name="s")
    return pl.kernel(
        _adj_counts_kernel,
        out_type=jax.ShapeDtypeStruct((_NC, _NS, _Z0), jnp.float32),
        mesh=mesh,
        scratch_types=[
            pltpu.VMEM((2, _EPT), jnp.int32),
            pltpu.VMEM((14, 128), jnp.int32),
            pltpu.VMEM((128,), jnp.float32),
            pltpu.VMEM((_ZC,), jnp.float32),
            pltpu.VMEM_SHARED((_NP * _W0,), jnp.float32),
            pltpu.SemaphoreType.DMA,
        ],
    )


def _dot(a, b):
    return jnp.dot(a, b, preferred_element_type=jnp.float32)


def _dot_t(a, b):
    return lax.dot_general(a, b, (((1,), (1,)), ((), ())),
                           preferred_element_type=jnp.float32)


def _fc_body(f_ref, wm_ref, bm_ref, wd_ref, bd_ref, x_ref):
    f = f_ref[...]
    xm = _dot_t(f, wm_ref[...]) + bm_ref[...].reshape(1, _F)
    xd = _dot_t(f[:, :_N_DIS], wd_ref[...]) + bd_ref[...].reshape(1, _F)
    row = lax.broadcasted_iota(jnp.int32, (_N, _F), 0)
    x878 = jnp.where(row < _N_MIRNA, xm, xd)
    x_ref[...] = jnp.concatenate(
        [x878, jnp.zeros((_NP - _N, _F), jnp.float32)], axis=0)


_fc = pl.pallas_call(
    _fc_body, out_shape=jax.ShapeDtypeStruct((_NP, _F), jnp.float32))


def _tc_body(a_ref, x_ref, ws1_ref, wn1_ref, b1_ref, ws2_ref, wn2_ref,
             b2_ref, o_ref):
    x = x_ref[...]
    p0 = jnp.reshape(a_ref[0], (_NP, _W0))
    p1 = jnp.reshape(a_ref[1][:, :_Z1], (_NP, _W1))
    a = jnp.concatenate([p0, p1], axis=1)
    deg = jnp.sum(a, axis=1, keepdims=True)
    inv = 1.0 / jnp.maximum(deg, 1.0)
    n1 = _dot(a, x) * inv
    h1 = jnp.maximum(_dot_t(x, ws1_ref[...]) + _dot_t(n1, wn1_ref[...])
                     + b1_ref[...].reshape(1, _F), 0.0)
    n2 = _dot(a, h1) * inv
    h2 = jnp.maximum(_dot_t(h1, ws2_ref[...]) + _dot_t(n2, wn2_ref[...])
                     + b2_ref[...].reshape(1, _F), 0.0)
    o_ref[...] = h2[:_N]


_tc = pl.pallas_call(
    _tc_body, out_shape=jax.ShapeDtypeStruct((_N, _F), jnp.float32))


def kernel(in_feat, edge_index, Wm, bm, Wd, bd, Ws1, Wn1, b1, Ws2, Wn2, b2):
    edge_p = jnp.pad(edge_index, ((0, 0), (0, _EP2 - _E)),
                     constant_values=_SENT)
    counts = _adj_counts()(edge_p)
    x = _fc(in_feat, Wm, bm, Wd, bd)
    return _tc(counts, x, Ws1, Wn1, b1, Ws2, Wn2, b2)

# --- scband reference (transcript-rebuilt; emitter-appended) ---
"""Pipeline reference for scband-graph-sage-49108656062514 (READ-ONLY COPY).

The authoritative reference and input builder live on the scoring server;
editing this copy changes nothing except your own understanding.
"""

import jax, jax.numpy as jnp
import numpy as np

N_MIRNA = 495
N_DIS = 383
N_NODES = 878
FC_OUT = 256
H_FEATS = 256
N_EDGES = 28096


def setup_inputs(seed: int = 0) -> dict:
    key = jax.random.key(seed)
    ks = jax.random.split(key, 13)
    in_feat = jax.random.normal(ks[0], (N_NODES, 495), dtype=jnp.float32)
    edge_index = jax.random.randint(ks[1], (2, N_EDGES), 0, N_NODES, dtype=jnp.int32)
    s = 0.05
    Wm = jax.random.normal(ks[2], (FC_OUT, 495), dtype=jnp.float32) * s
    bm = jnp.zeros((FC_OUT,), dtype=jnp.float32)
    Wd = jax.random.normal(ks[3], (FC_OUT, 383), dtype=jnp.float32) * s
    bd = jnp.zeros((FC_OUT,), dtype=jnp.float32)
    Ws1 = jax.random.normal(ks[4], (H_FEATS, FC_OUT), dtype=jnp.float32) * s
    Wn1 = jax.random.normal(ks[5], (H_FEATS, FC_OUT), dtype=jnp.float32) * s
    b1 = jnp.zeros((H_FEATS,), dtype=jnp.float32)
    Ws2 = jax.random.normal(ks[6], (H_FEATS, H_FEATS), dtype=jnp.float32) * s
    Wn2 = jax.random.normal(ks[7], (H_FEATS, H_FEATS), dtype=jnp.float32) * s
    b2 = jnp.zeros((H_FEATS,), dtype=jnp.float32)
    return {"in_feat": in_feat, "edge_index": edge_index, "Wm": Wm, "bm": bm,
            "Wd": Wd, "bd": bd, "Ws1": Ws1, "Wn1": Wn1, "b1": b1,
            "Ws2": Ws2, "Wn2": Wn2, "b2": b2}


def _mean_agg(x, src, dst, num_nodes):
    msgs = jnp.take(x, src, axis=0)
    summed = jax.ops.segment_sum(msgs, dst, num_segments=num_nodes)
    deg = jax.ops.segment_sum(jnp.ones((src.shape[0],), jnp.float32), dst, num_segments=num_nodes)
    return summed / jnp.clip(deg, 1.0)[:, None]


def _sage_conv(x, src, dst, Ws, Wn, b, num_nodes):
    # DGL SAGEConv 'mean': fc_self(h) + fc_neigh(mean_{u in N(v)} h_u) + bias
    h_neigh = _mean_agg(x, src, dst, num_nodes)
    return x @ Ws.T + h_neigh @ Wn.T + b


def reference(in_feat, edge_index, Wm, bm, Wd, bd, Ws1, Wn1, b1, Ws2, Wn2, b2):
    mirna_feats = in_feat[0:N_MIRNA, :]
    disease_feats = in_feat[N_MIRNA:N_NODES, 0:N_DIS]
    mirna_feats = mirna_feats @ Wm.T + bm
    disease_feats = disease_feats @ Wd.T + bd
    x = jnp.concatenate([mirna_feats, disease_feats], axis=0)
    src = edge_index[0]
    dst = edge_index[1]
    h = jax.nn.relu(_sage_conv(x, src, dst, Ws1, Wn1, b1, N_NODES))
    h = jax.nn.relu(_sage_conv(h, src, dst, Ws2, Wn2, b2, N_NODES))
    return h

if __name__ == "__main__":
    import jax
    _d = setup_inputs()
    print(jax.jit(kernel)(*tuple(_d.values())))

</pallas_src>

<mosaic_0001>
#map = affine_map<(d0, d1) -> (0, 0)>
#map1 = affine_map<(d0, d1) -> (0, 0, 0)>
module attributes {stable_mosaic.version = 14 : i64} {
  func.func @_adj_counts_kernel(%arg0: i32, %arg1: i32, %arg2: memref<2x28672xi32, #tpu.memory_space<hbm>>, %arg3: memref<2x16x28672xf32, #tpu.memory_space<hbm>>, %arg4: memref<2x1792xi32, #tpu.memory_space<vmem>>, %arg5: memref<14x128xi32, #tpu.memory_space<vmem>>, %arg6: memref<128xf32, #tpu.memory_space<vmem>>, %arg7: memref<7168xf32, #tpu.memory_space<vmem>>, %arg8: memref<458752xf32, #tpu.memory_space<vmem_shared>>, %arg9: memref<!tpu.dma_semaphore, #tpu.memory_space<semaphore_mem>>) attributes {dimension_semantics = [#tpu.dimension_semantics<core_parallel>, #tpu.dimension_semantics<subcore_parallel>], iteration_bounds = array<i64: 2, 16>, scalar_prefetch = 0 : i64, scratch_operands = 6 : i64, tpu.core_type = #tpu.core_type<sc_vector_subcore>, window_params = [{transform_indices = #map}, {transform_indices = #map1}]} {
    %mul3A = arith.constant 1792 : i32
    %mul3A_0 = arith.muli %arg1, %mul3A : i32
    %mul3A_1 = arith.constant 128 : i32
    %mul3A_2 = arith.muli %mul3A_1, %arg0 : i32
    %sub3A = arith.constant 512 : i32
    %sub3A_3 = arith.subi %sub3A, %mul3A_2 : i32
    %scan3A = arith.constant 0 : i32
    %scan3A_4 = arith.constant 448 : i32
    %scan3A_5 = arith.addi %scan3A, %scan3A_4 : i32
    %scan3A_6 = arith.constant 1 : i32
    scf.for %scan3A_291 = %scan3A to %scan3A_5 step %scan3A_6  : i32 {
      %mul3A_292 = arith.constant 16 : i32
      %mul3A_293 = arith.muli %scan3A_291, %mul3A_292 : i32
      %add3A_294 = arith.constant 0 : i32
      %add3A_295 = arith.addi %add3A_294, %mul3A_293 : i32
      %broadcast_in_dim3A = arith.constant 0.000000e+00 : f32
      %broadcast_in_dim3A_296 = vector.broadcast %broadcast_in_dim3A : f32 to vector<16xf32>
      %swap3A = arith.index_cast %add3A_295 : i32 to index
      %swap3A_297 = tpu.vector_load %arg7[%swap3A] {strides = array<i32>} : memref<7168xf32, #tpu.memory_space<vmem>>, vector<16xf32>,
      %swap3A_298 = vector.shape_cast %swap3A_297 : vector<16xf32> to vector<16xf32>
      %swap3A_299 = vector.shape_cast %broadcast_in_dim3A_296 : vector<16xf32> to vector<16xf32>
      tpu.vector_store %arg7[%swap3A], %swap3A_299 {strides = array<i32>} : memref<7168xf32, #tpu.memory_space<vmem>>, vector<16xf32>,
    }
    %scan3A_7 = arith.constant 448 : i32
    %mul3A_8 = arith.constant 7168 : i32
    %mul3A_9 = arith.muli %mul3A_8, %arg0 : i32
    %sub3A_10 = arith.constant 28672 : i32
    %sub3A_11 = arith.subi %sub3A_10, %mul3A_9 : i32
    %mul3A_12 = arith.muli %arg1, %sub3A_11 : i32
    %add3A = arith.constant 0 : i32
    %add3A_13 = arith.addi %mul3A_12, %add3A : i32
    %dma_start3A = tpu.memref_slice %arg8[%add3A_13] : memref<458752xf32, #tpu.memory_space<vmem_shared>> -> memref<7168xf32, #tpu.memory_space<vmem_shared>>
    %dma_start3A_14 = tpu.memref_slice %arg8[%add3A_13] : memref<458752xf32, #tpu.memory_space<vmem_shared>> -> memref<7168xf32, #tpu.memory_space<vmem_shared>>
    tpu.enqueue_dma source(%arg7 : memref<7168xf32, #tpu.memory_space<vmem>>) target(%dma_start3A_14 : memref<7168xf32, #tpu.memory_space<vmem_shared>>) target_semaphore(%arg9 : memref<!tpu.dma_semaphore, #tpu.memory_space<semaphore_mem>>)
    %add3A_15 = arith.constant 7168 : i32
    %add3A_16 = arith.addi %mul3A_12, %add3A_15 : i32
    %dma_start3A_17 = tpu.memref_slice %arg8[%add3A_16] : memref<458752xf32, #tpu.memory_space<vmem_shared>> -> memref<7168xf32, #tpu.memory_space<vmem_shared>>
    %dma_start3A_18 = tpu.memref_slice %arg8[%add3A_16] : memref<458752xf32, #tpu.memory_space<vmem_shared>> -> memref<7168xf32, #tpu.memory_space<vmem_shared>>
    tpu.enqueue_dma source(%arg7 : memref<7168xf32, #tpu.memory_space<vmem>>) target(%dma_start3A_18 : memref<7168xf32, #tpu.memory_space<vmem_shared>>) target_semaphore(%arg9 : memref<!tpu.dma_semaphore, #tpu.memory_space<semaphore_mem>>)
    %add3A_19 = arith.constant 14336 : i32
    %add3A_20 = arith.addi %mul3A_12, %add3A_19 : i32
    %dma_start3A_21 = tpu.memref_slice %arg8[%add3A_20] : memref<458752xf32, #tpu.memory_space<vmem_shared>> -> memref<7168xf32, #tpu.memory_space<vmem_shared>>
    %dma_start3A_22 = tpu.memref_slice %arg8[%add3A_20] : memref<458752xf32, #tpu.memory_space<vmem_shared>> -> memref<7168xf32, #tpu.memory_space<vmem_shared>>
    tpu.enqueue_dma source(%arg7 : memref<7168xf32, #tpu.memory_space<vmem>>) target(%dma_start3A_22 : memref<7168xf32, #tpu.memory_space<vmem_shared>>) target_semaphore(%arg9 : memref<!tpu.dma_semaphore, #tpu.memory_space<semaphore_mem>>)
    %scan3A_23 = arith.constant 0 : i32
    %scan3A_24 = arith.constant 8 : i32
    %scan3A_25 = arith.addi %scan3A_23, %scan3A_24 : i32
    %scan3A_26 = arith.constant 1 : i32
    scf.for %scan3A_291 = %scan3A_23 to %scan3A_25 step %scan3A_26  : i32 {
      %mul3A_292 = arith.constant 16 : i32
      %mul3A_293 = arith.muli %scan3A_291, %mul3A_292 : i32
      %add3A_294 = arith.constant 0 : i32
      %add3A_295 = arith.addi %add3A_294, %mul3A_293 : i32
      %broadcast_in_dim3A = arith.constant 1.000000e+00 : f32
      %broadcast_in_dim3A_296 = vector.broadcast %broadcast_in_dim3A : f32 to vector<16xf32>
      %swap3A = arith.index_cast %add3A_295 : i32 to index
      %swap3A_297 = tpu.vector_load %arg6[%swap3A] {strides = array<i32>} : memref<128xf32, #tpu.memory_space<vmem>>, vector<16xf32>,
      %swap3A_298 = vector.shape_cast %swap3A_297 : vector<16xf32> to vector<16xf32>
      %swap3A_299 = vector.shape_cast %broadcast_in_dim3A_296 : vector<16xf32> to vector<16xf32>
      tpu.vector_store %arg6[%swap3A], %swap3A_299 {strides = array<i32>} : memref<128xf32, #tpu.memory_space<vmem>>, vector<16xf32>,
    }
    %scan3A_27 = arith.constant 8 : i32
    %eq3A = arith.constant 0 : i32
    %eq3A_28 = arith.cmpi eq, %arg0, %eq3A : i32
    %convert_element_type3A = arith.extui %eq3A_28 : i1 to i32
    %cond3A = arith.constant 0 : i32
    %cond3A_29 = arith.cmpi ne, %convert_element_type3A, %cond3A : i32
    scf.if %cond3A_29 {
      %add3A_291 = arith.constant 21504 : i32
      %add3A_292 = arith.addi %mul3A_12, %add3A_291 : i32
      "tpu.region"() ({
        %run_scoped3A = tpu.sem_alloc : memref<!tpu.dma_semaphore, #tpu.memory_space<semaphore_mem>>
        %dma_start3A_293 = tpu.memref_slice %arg8[%add3A_292] : memref<458752xf32, #tpu.memory_space<vmem_shared>> -> memref<7168xf32, #tpu.memory_space<vmem_shared>>
        %dma_start3A_294 = tpu.memref_slice %arg8[%add3A_292] : memref<458752xf32, #tpu.memory_space<vmem_shared>> -> memref<7168xf32, #tpu.memory_space<vmem_shared>>
        tpu.enqueue_dma source(%arg7 : memref<7168xf32, #tpu.memory_space<vmem>>) target(%dma_start3A_294 : memref<7168xf32, #tpu.memory_space<vmem_shared>>) target_semaphore(%run_scoped3A : memref<!tpu.dma_semaphore, #tpu.memory_space<semaphore_mem>>)
        %dma_wait3A_295 = tpu.memref_slice %arg8[%add3A_292] : memref<458752xf32, #tpu.memory_space<vmem_shared>> -> memref<7168xf32, #tpu.memory_space<vmem_shared>>
        %dma_wait3A_296 = tpu.memref_slice %arg8[%add3A_292] : memref<458752xf32, #tpu.memory_space<vmem_shared>> -> memref<7168xf32, #tpu.memory_space<vmem_shared>>
        tpu.wait_dma2 semaphore(%run_scoped3A : memref<!tpu.dma_semaphore, #tpu.memory_space<semaphore_mem>>) src(%arg7 : memref<7168xf32, #tpu.memory_space<vmem>>) dst(%dma_wait3A_296 : memref<7168xf32, #tpu.memory_space<vmem_shared>>)
        tpu.yield
      }) : () -> ()
    } else {
    }
    "tpu.region"() ({
      %run_scoped3A = tpu.sem_alloc : memref<!tpu.dma_semaphore, #tpu.memory_space<semaphore_mem>>
      %dma_start3A_291 = arith.constant 0 : i32
      %dma_start3A_292 = tpu.memref_slice %arg2[%dma_start3A_291, %mul3A_0] : memref<2x28672xi32, #tpu.memory_space<hbm>> -> memref<2x1792xi32, #tpu.memory_space<hbm>>
      %dma_start3A_293 = arith.constant 0 : i32
      %dma_start3A_294 = tpu.memref_slice %arg2[%dma_start3A_293, %mul3A_0] : memref<2x28672xi32, #tpu.memory_space<hbm>> -> memref<2x1792xi32, #tpu.memory_space<hbm>>
      tpu.enqueue_dma source(%dma_start3A_294 : memref<2x1792xi32, #tpu.memory_space<hbm>>) target(%arg4 : memref<2x1792xi32, #tpu.memory_space<vmem>>) target_semaphore(%run_scoped3A : memref<!tpu.dma_semaphore, #tpu.memory_space<semaphore_mem>>)
      %dma_wait3A_295 = arith.constant 0 : i32
      %dma_wait3A_296 = tpu.memref_slice %arg2[%dma_wait3A_295, %mul3A_0] : memref<2x28672xi32, #tpu.memory_space<hbm>> -> memref<2x1792xi32, #tpu.memory_space<hbm>>
      %dma_wait3A_297 = arith.constant 0 : i32
      %dma_wait3A_298 = tpu.memref_slice %arg2[%dma_wait3A_297, %mul3A_0] : memref<2x28672xi32, #tpu.memory_space<hbm>> -> memref<2x1792xi32, #tpu.memory_space<hbm>>
      tpu.wait_dma2 semaphore(%run_scoped3A : memref<!tpu.dma_semaphore, #tpu.memory_space<semaphore_mem>>) src(%dma_wait3A_298 : memref<2x1792xi32, #tpu.memory_space<hbm>>) dst(%arg4 : memref<2x1792xi32, #tpu.memory_space<vmem>>)
      tpu.yield
    }) : () -> ()
    %iota3A = tpu.iota {dimensions = array<i32: 0>} : vector<16xi32>
    %mul3A_30 = arith.constant 895 : i32
    %mul3A_31 = arith.muli %mul3A_30, %sub3A_3 : i32
    %mul3A_32 = arith.constant 16 : i32
    %mul3A_33 = arith.muli %arg1, %mul3A_32 : i32
    %add3A_34 = arith.addi %mul3A_31, %mul3A_33 : i32
    %add3A_35 = vector.broadcast %add3A_34 : i32 to vector<16xi32>
    %add3A_36 = arith.addi %add3A_35, %iota3A : vector<16xi32>
    %scan3A_37 = arith.constant 0 : i32
    %scan3A_38 = arith.constant 8 : i32
    %scan3A_39 = arith.addi %scan3A_37, %scan3A_38 : i32
    %scan3A_40 = arith.constant 1 : i32
    scf.for %scan3A_291 = %scan3A_37 to %scan3A_39 step %scan3A_40  : i32 {
      %mul3A_292 = arith.constant 16 : i32
      %mul3A_293 = arith.muli %scan3A_291, %mul3A_292 : i32
      %add3A_294 = arith.constant 0 : i32
      %add3A_295 = arith.addi %add3A_294, %mul3A_293 : i32
      %add3A_296 = arith.constant 0 : i32
      %add3A_297 = arith.addi %add3A_296, %add3A_295 : i32
      %get3A = arith.constant 1 : i32
      %get3A_298 = arith.index_cast %get3A : i32 to index
      %get3A_299 = arith.index_cast %add3A_297 : i32 to index
      %get3A_300 = tpu.vector_load %arg4[%get3A_298, %get3A_299] {strides = array<i32>} : memref<2x1792xi32, #tpu.memory_space<vmem>>, vector<1x16xi32>,
      %get3A_301 = vector.shape_cast %get3A_300 : vector<1x16xi32> to vector<16xi32>
      %get3A_302 = arith.constant 0 : i32
      %get3A_303 = arith.index_cast %get3A_302 : i32 to index
      %get3A_304 = arith.index_cast %add3A_297 : i32 to index
      %get3A_305 = tpu.vector_load %arg4[%get3A_303, %get3A_304] {strides = array<i32>} : memref<2x1792xi32, #tpu.memory_space<vmem>>, vector<1x16xi32>,
      %get3A_306 = vector.shape_cast %get3A_305 : vector<1x16xi32> to vector<16xi32>
      %mul3A_307 = arith.constant 512 : i32
      %mul3A_308 = arith.muli %mul3A_307, %arg0 : i32
      %sub3A_309 = vector.broadcast %mul3A_308 : i32 to vector<16xi32>
      %sub3A_310 = arith.subi %get3A_306, %sub3A_309 : vector<16xi32>
      %ge3A = arith.constant 0 : i32
      %ge3A_311 = vector.broadcast %ge3A : i32 to vector<16xi32>
      %ge3A_312 = arith.cmpi sge, %sub3A_310, %ge3A_311 : vector<16xi32>
      %lt3A = vector.broadcast %sub3A_3 : i32 to vector<16xi32>
      %lt3A_313 = arith.cmpi slt, %sub3A_310, %lt3A : vector<16xi32>
      %and3A = arith.andi %ge3A_312, %lt3A_313 : vector<16xi1>
      %mul3A_314 = vector.broadcast %sub3A_3 : i32 to vector<16xi32>
      %mul3A_315 = arith.muli %get3A_301, %mul3A_314 : vector<16xi32>
      %add3A_316 = arith.addi %mul3A_315, %sub3A_310 : vector<16xi32>
      %select_n3A = arith.select %and3A, %add3A_316, %add3A_36 : vector<16xi1>, vector<16xi32>
      %swap3A = arith.constant 0 : i32
      %swap3A_317 = arith.index_cast %swap3A : i32 to index
      %swap3A_318 = arith.index_cast %add3A_295 : i32 to index
      %swap3A_319 = tpu.vector_load %arg5[%swap3A_317, %swap3A_318] {strides = array<i32>} : memref<14x128xi32, #tpu.memory_space<vmem>>, vector<1x16xi32>,
      %swap3A_320 = vector.shape_cast %swap3A_319 : vector<1x16xi32> to vector<16xi32>
      %swap3A_321 = vector.shape_cast %select_n3A : vector<16xi32> to vector<1x16xi32>
      tpu.vector_store %arg5[%swap3A_317, %swap3A_318], %swap3A_321 {strides = array<i32>} : memref<14x128xi32, #tpu.memory_space<vmem>>, vector<1x16xi32>,
    }
    %scan3A_41 = arith.constant 8 : i32
    %scan3A_42 = arith.constant 0 : i32
    %scan3A_43 = arith.constant 8 : i32
    %scan3A_44 = arith.addi %scan3A_42, %scan3A_43 : i32
    %scan3A_45 = arith.constant 1 : i32
    scf.for %scan3A_291 = %scan3A_42 to %scan3A_44 step %scan3A_45  : i32 {
      %mul3A_292 = arith.constant 16 : i32
      %mul3A_293 = arith.muli %scan3A_291, %mul3A_292 : i32
      %add3A_294 = arith.constant 0 : i32
      %add3A_295 = arith.addi %add3A_294, %mul3A_293 : i32
      %add3A_296 = arith.constant 128 : i32
      %add3A_297 = arith.addi %add3A_296, %add3A_295 : i32
      %get3A = arith.constant 1 : i32
      %get3A_298 = arith.index_cast %get3A : i32 to index
      %get3A_299 = arith.index_cast %add3A_297 : i32 to index
      %get3A_300 = tpu.vector_load %arg4[%get3A_298, %get3A_299] {strides = array<i32>} : memref<2x1792xi32, #tpu.memory_space<vmem>>, vector<1x16xi32>,
      %get3A_301 = vector.shape_cast %get3A_300 : vector<1x16xi32> to vector<16xi32>
      %get3A_302 = arith.constant 0 : i32
      %get3A_303 = arith.index_cast %get3A_302 : i32 to index
      %get3A_304 = arith.index_cast %add3A_297 : i32 to index
      %get3A_305 = tpu.vector_load %arg4[%get3A_303, %get3A_304] {strides = array<i32>} : memref<2x1792xi32, #tpu.memory_space<vmem>>, vector<1x16xi32>,
      %get3A_306 = vector.shape_cast %get3A_305 : vector<1x16xi32> to vector<16xi32>
      %mul3A_307 = arith.constant 512 : i32
      %mul3A_308 = arith.muli %mul3A_307, %arg0 : i32
      %sub3A_309 = vector.broadcast %mul3A_308 : i32 to vector<16xi32>
      %sub3A_310 = arith.subi %get3A_306, %sub3A_309 : vector<16xi32>
      %ge3A = arith.constant 0 : i32
      %ge3A_311 = vector.broadcast %ge3A : i32 to vector<16xi32>
      %ge3A_312 = arith.cmpi sge, %sub3A_310, %ge3A_311 : vector<16xi32>
      %lt3A = vector.broadcast %sub3A_3 : i32 to vector<16xi32>
      %lt3A_313 = arith.cmpi slt, %sub3A_310, %lt3A : vector<16xi32>
      %and3A = arith.andi %ge3A_312, %lt3A_313 : vector<16xi1>
      %mul3A_314 = vector.broadcast %sub3A_3 : i32 to vector<16xi32>
      %mul3A_315 = arith.muli %get3A_301, %mul3A_314 : vector<16xi32>
      %add3A_316 = arith.addi %mul3A_315, %sub3A_310 : vector<16xi32>
      %select_n3A = arith.select %and3A, %add3A_316, %add3A_36 : vector<16xi1>, vector<16xi32>
      %swap3A = arith.constant 1 : i32
      %swap3A_317 = arith.index_cast %swap3A : i32 to index
      %swap3A_318 = arith.index_cast %add3A_295 : i32 to index
      %swap3A_319 = tpu.vector_load %arg5[%swap3A_317, %swap3A_318] {strides = array<i32>} : memref<14x128xi32, #tpu.memory_space<vmem>>, vector<1x16xi32>,
      %swap3A_320 = vector.shape_cast %swap3A_319 : vector<1x16xi32> to vector<16xi32>
      %swap3A_321 = vector.shape_cast %select_n3A : vector<16xi32> to vector<1x16xi32>
      tpu.vector_store %arg5[%swap3A_317, %swap3A_318], %swap3A_321 {strides = array<i32>} : memref<14x128xi32, #tpu.memory_space<vmem>>, vector<1x16xi32>,
    }
    %scan3A_46 = arith.constant 8 : i32
    %scan3A_47 = arith.constant 0 : i32
    %scan3A_48 = arith.constant 8 : i32
    %scan3A_49 = arith.addi %scan3A_47, %scan3A_48 : i32
    %scan3A_50 = arith.constant 1 : i32
    scf.for %scan3A_291 = %scan3A_47 to %scan3A_49 step %scan3A_50  : i32 {
      %mul3A_292 = arith.constant 16 : i32
      %mul3A_293 = arith.muli %scan3A_291, %mul3A_292 : i32
      %add3A_294 = arith.constant 0 : i32
      %add3A_295 = arith.addi %add3A_294, %mul3A_293 : i32
      %add3A_296 = arith.constant 256 : i32
      %add3A_297 = arith.addi %add3A_296, %add3A_295 : i32
      %get3A = arith.constant 1 : i32
      %get3A_298 = arith.index_cast %get3A : i32 to index
      %get3A_299 = arith.index_cast %add3A_297 : i32 to index
      %get3A_300 = tpu.vector_load %arg4[%get3A_298, %get3A_299] {strides = array<i32>} : memref<2x1792xi32, #tpu.memory_space<vmem>>, vector<1x16xi32>,
      %get3A_301 = vector.shape_cast %get3A_300 : vector<1x16xi32> to vector<16xi32>
      %get3A_302 = arith.constant 0 : i32
      %get3A_303 = arith.index_cast %get3A_302 : i32 to index
      %get3A_304 = arith.index_cast %add3A_297 : i32 to index
      %get3A_305 = tpu.vector_load %arg4[%get3A_303, %get3A_304] {strides = array<i32>} : memref<2x1792xi32, #tpu.memory_space<vmem>>, vector<1x16xi32>,
      %get3A_306 = vector.shape_cast %get3A_305 : vector<1x16xi32> to vector<16xi32>
      %mul3A_307 = arith.constant 512 : i32
      %mul3A_308 = arith.muli %mul3A_307, %arg0 : i32
      %sub3A_309 = vector.broadcast %mul3A_308 : i32 to vector<16xi32>
      %sub3A_310 = arith.subi %get3A_306, %sub3A_309 : vector<16xi32>
      %ge3A = arith.constant 0 : i32
      %ge3A_311 = vector.broadcast %ge3A : i32 to vector<16xi32>
      %ge3A_312 = arith.cmpi sge, %sub3A_310, %ge3A_311 : vector<16xi32>
      %lt3A = vector.broadcast %sub3A_3 : i32 to vector<16xi32>
      %lt3A_313 = arith.cmpi slt, %sub3A_310, %lt3A : vector<16xi32>
      %and3A = arith.andi %ge3A_312, %lt3A_313 : vector<16xi1>
      %mul3A_314 = vector.broadcast %sub3A_3 : i32 to vector<16xi32>
      %mul3A_315 = arith.muli %get3A_301, %mul3A_314 : vector<16xi32>
      %add3A_316 = arith.addi %mul3A_315, %sub3A_310 : vector<16xi32>
      %select_n3A = arith.select %and3A, %add3A_316, %add3A_36 : vector<16xi1>, vector<16xi32>
      %swap3A = arith.constant 2 : i32
      %swap3A_317 = arith.index_cast %swap3A : i32 to index
      %swap3A_318 = arith.index_cast %add3A_295 : i32 to index
      %swap3A_319 = tpu.vector_load %arg5[%swap3A_317, %swap3A_318] {strides = array<i32>} : memref<14x128xi32, #tpu.memory_space<vmem>>, vector<1x16xi32>,
      %swap3A_320 = vector.shape_cast %swap3A_319 : vector<1x16xi32> to vector<16xi32>
      %swap3A_321 = vector.shape_cast %select_n3A : vector<16xi32> to vector<1x16xi32>
      tpu.vector_store %arg5[%swap3A_317, %swap3A_318], %swap3A_321 {strides = array<i32>} : memref<14x128xi32, #tpu.memory_space<vmem>>, vector<1x16xi32>,
    }
    %scan3A_51 = arith.constant 8 : i32
    %scan3A_52 = arith.constant 0 : i32
    %scan3A_53 = arith.constant 8 : i32
    %scan3A_54 = arith.addi %scan3A_52, %scan3A_53 : i32
    %scan3A_55 = arith.constant 1 : i32
    scf.for %scan3A_291 = %scan3A_52 to %scan3A_54 step %scan3A_55  : i32 {
      %mul3A_292 = arith.constant 16 : i32
      %mul3A_293 = arith.muli %scan3A_291, %mul3A_292 : i32
      %add3A_294 = arith.constant 0 : i32
      %add3A_295 = arith.addi %add3A_294, %mul3A_293 : i32
      %add3A_296 = arith.constant 384 : i32
      %add3A_297 = arith.addi %add3A_296, %add3A_295 : i32
      %get3A = arith.constant 1 : i32
      %get3A_298 = arith.index_cast %get3A : i32 to index
      %get3A_299 = arith.index_cast %add3A_297 : i32 to index
      %get3A_300 = tpu.vector_load %arg4[%get3A_298, %get3A_299] {strides = array<i32>} : memref<2x1792xi32, #tpu.memory_space<vmem>>, vector<1x16xi32>,
      %get3A_301 = vector.shape_cast %get3A_300 : vector<1x16xi32> to vector<16xi32>
      %get3A_302 = arith.constant 0 : i32
      %get3A_303 = arith.index_cast %get3A_302 : i32 to index
      %get3A_304 = arith.index_cast %add3A_297 : i32 to index
      %get3A_305 = tpu.vector_load %arg4[%get3A_303, %get3A_304] {strides = array<i32>} : memref<2x1792xi32, #tpu.memory_space<vmem>>, vector<1x16xi32>,
      %get3A_306 = vector.shape_cast %get3A_305 : vector<1x16xi32> to vector<16xi32>
      %mul3A_307 = arith.constant 512 : i32
      %mul3A_308 = arith.muli %mul3A_307, %arg0 : i32
      %sub3A_309 = vector.broadcast %mul3A_308 : i32 to vector<16xi32>
      %sub3A_310 = arith.subi %get3A_306, %sub3A_309 : vector<16xi32>
      %ge3A = arith.constant 0 : i32
      %ge3A_311 = vector.broadcast %ge3A : i32 to vector<16xi32>
      %ge3A_312 = arith.cmpi sge, %sub3A_310, %ge3A_311 : vector<16xi32>
      %lt3A = vector.broadcast %sub3A_3 : i32 to vector<16xi32>
      %lt3A_313 = arith.cmpi slt, %sub3A_310, %lt3A : vector<16xi32>
      %and3A = arith.andi %ge3A_312, %lt3A_313 : vector<16xi1>
      %mul3A_314 = vector.broadcast %sub3A_3 : i32 to vector<16xi32>
      %mul3A_315 = arith.muli %get3A_301, %mul3A_314 : vector<16xi32>
      %add3A_316 = arith.addi %mul3A_315, %sub3A_310 : vector<16xi32>
      %select_n3A = arith.select %and3A, %add3A_316, %add3A_36 : vector<16xi1>, vector<16xi32>
      %swap3A = arith.constant 3 : i32
      %swap3A_317 = arith.index_cast %swap3A : i32 to index
      %swap3A_318 = arith.index_cast %add3A_295 : i32 to index
      %swap3A_319 = tpu.vector_load %arg5[%swap3A_317, %swap3A_318] {strides = array<i32>} : memref<14x128xi32, #tpu.memory_space<vmem>>, vector<1x16xi32>,
      %swap3A_320 = vector.shape_cast %swap3A_319 : vector<1x16xi32> to vector<16xi32>
      %swap3A_321 = vector.shape_cast %select_n3A : vector<16xi32> to vector<1x16xi32>
      tpu.vector_store %arg5[%swap3A_317, %swap3A_318], %swap3A_321 {strides = array<i32>} : memref<14x128xi32, #tpu.memory_space<vmem>>, vector<1x16xi32>,
    }
    %scan3A_56 = arith.constant 8 : i32
    %scan3A_57 = arith.constant 0 : i32
    %scan3A_58 = arith.constant 8 : i32
    %scan3A_59 = arith.addi %scan3A_57, %scan3A_58 : i32
    %scan3A_60 = arith.constant 1 : i32
    scf.for %scan3A_291 = %scan3A_57 to %scan3A_59 step %scan3A_60  : i32 {
      %mul3A_292 = arith.constant 16 : i32
      %mul3A_293 = arith.muli %scan3A_291, %mul3A_292 : i32
      %add3A_294 = arith.constant 0 : i32
      %add3A_295 = arith.addi %add3A_294, %mul3A_293 : i32
      %add3A_296 = arith.constant 512 : i32
      %add3A_297 = arith.addi %add3A_296, %add3A_295 : i32
      %get3A = arith.constant 1 : i32
      %get3A_298 = arith.index_cast %get3A : i32 to index
      %get3A_299 = arith.index_cast %add3A_297 : i32 to index
      %get3A_300 = tpu.vector_load %arg4[%get3A_298, %get3A_299] {strides = array<i32>} : memref<2x1792xi32, #tpu.memory_space<vmem>>, vector<1x16xi32>,
      %get3A_301 = vector.shape_cast %get3A_300 : vector<1x16xi32> to vector<16xi32>
      %get3A_302 = arith.constant 0 : i32
      %get3A_303 = arith.index_cast %get3A_302 : i32 to index
      %get3A_304 = arith.index_cast %add3A_297 : i32 to index
      %get3A_305 = tpu.vector_load %arg4[%get3A_303, %get3A_304] {strides = array<i32>} : memref<2x1792xi32, #tpu.memory_space<vmem>>, vector<1x16xi32>,
      %get3A_306 = vector.shape_cast %get3A_305 : vector<1x16xi32> to vector<16xi32>
      %mul3A_307 = arith.constant 512 : i32
      %mul3A_308 = arith.muli %mul3A_307, %arg0 : i32
      %sub3A_309 = vector.broadcast %mul3A_308 : i32 to vector<16xi32>
      %sub3A_310 = arith.subi %get3A_306, %sub3A_309 : vector<16xi32>
      %ge3A = arith.constant 0 : i32
      %ge3A_311 = vector.broadcast %ge3A : i32 to vector<16xi32>
      %ge3A_312 = arith.cmpi sge, %sub3A_310, %ge3A_311 : vector<16xi32>
      %lt3A = vector.broadcast %sub3A_3 : i32 to vector<16xi32>
      %lt3A_313 = arith.cmpi slt, %sub3A_310, %lt3A : vector<16xi32>
      %and3A = arith.andi %ge3A_312, %lt3A_313 : vector<16xi1>
      %mul3A_314 = vector.broadcast %sub3A_3 : i32 to vector<16xi32>
      %mul3A_315 = arith.muli %get3A_301, %mul3A_314 : vector<16xi32>
      %add3A_316 = arith.addi %mul3A_315, %sub3A_310 : vector<16xi32>
      %select_n3A = arith.select %and3A, %add3A_316, %add3A_36 : vector<16xi1>, vector<16xi32>
      %swap3A = arith.constant 4 : i32
      %swap3A_317 = arith.index_cast %swap3A : i32 to index
      %swap3A_318 = arith.index_cast %add3A_295 : i32 to index
      %swap3A_319 = tpu.vector_load %arg5[%swap3A_317, %swap3A_318] {strides = array<i32>} : memref<14x128xi32, #tpu.memory_space<vmem>>, vector<1x16xi32>,
      %swap3A_320 = vector.shape_cast %swap3A_319 : vector<1x16xi32> to vector<16xi32>
      %swap3A_321 = vector.shape_cast %select_n3A : vector<16xi32> to vector<1x16xi32>
      tpu.vector_store %arg5[%swap3A_317, %swap3A_318], %swap3A_321 {strides = array<i32>} : memref<14x128xi32, #tpu.memory_space<vmem>>, vector<1x16xi32>,
    }
    %scan3A_61 = arith.constant 8 : i32
    %scan3A_62 = arith.constant 0 : i32
    %scan3A_63 = arith.constant 8 : i32
    %scan3A_64 = arith.addi %scan3A_62, %scan3A_63 : i32
    %scan3A_65 = arith.constant 1 : i32
    scf.for %scan3A_291 = %scan3A_62 to %scan3A_64 step %scan3A_65  : i32 {
      %mul3A_292 = arith.constant 16 : i32
      %mul3A_293 = arith.muli %scan3A_291, %mul3A_292 : i32
      %add3A_294 = arith.constant 0 : i32
      %add3A_295 = arith.addi %add3A_294, %mul3A_293 : i32
      %add3A_296 = arith.constant 640 : i32
      %add3A_297 = arith.addi %add3A_296, %add3A_295 : i32
      %get3A = arith.constant 1 : i32
      %get3A_298 = arith.index_cast %get3A : i32 to index
      %get3A_299 = arith.index_cast %add3A_297 : i32 to index
      %get3A_300 = tpu.vector_load %arg4[%get3A_298, %get3A_299] {strides = array<i32>} : memref<2x1792xi32, #tpu.memory_space<vmem>>, vector<1x16xi32>,
      %get3A_301 = vector.shape_cast %get3A_300 : vector<1x16xi32> to vector<16xi32>
      %get3A_302 = arith.constant 0 : i32
      %get3A_303 = arith.index_cast %get3A_302 : i32 to index
      %get3A_304 = arith.index_cast %add3A_297 : i32 to index
      %get3A_305 = tpu.vector_load %arg4[%get3A_303, %get3A_304] {strides = array<i32>} : memref<2x1792xi32, #tpu.memory_space<vmem>>, vector<1x16xi32>,
      %get3A_306 = vector.shape_cast %get3A_305 : vector<1x16xi32> to vector<16xi32>
      %mul3A_307 = arith.constant 512 : i32
      %mul3A_308 = arith.muli %mul3A_307, %arg0 : i32
      %sub3A_309 = vector.broadcast %mul3A_308 : i32 to vector<16xi32>
      %sub3A_310 = arith.subi %get3A_306, %sub3A_309 : vector<16xi32>
      %ge3A = arith.constant 0 : i32
      %ge3A_311 = vector.broadcast %ge3A : i32 to vector<16xi32>
      %ge3A_312 = arith.cmpi sge, %sub3A_310, %ge3A_311 : vector<16xi32>
      %lt3A = vector.broadcast %sub3A_3 : i32 to vector<16xi32>
      %lt3A_313 = arith.cmpi slt, %sub3A_310, %lt3A : vector<16xi32>
      %and3A = arith.andi %ge3A_312, %lt3A_313 : vector<16xi1>
      %mul3A_314 = vector.broadcast %sub3A_3 : i32 to vector<16xi32>
      %mul3A_315 = arith.muli %get3A_301, %mul3A_314 : vector<16xi32>
      %add3A_316 = arith.addi %mul3A_315, %sub3A_310 : vector<16xi32>
      %select_n3A = arith.select %and3A, %add3A_316, %add3A_36 : vector<16xi1>, vector<16xi32>
      %swap3A = arith.constant 5 : i32
      %swap3A_317 = arith.index_cast %swap3A : i32 to index
      %swap3A_318 = arith.index_cast %add3A_295 : i32 to index
      %swap3A_319 = tpu.vector_load %arg5[%swap3A_317, %swap3A_318] {strides = array<i32>} : memref<14x128xi32, #tpu.memory_space<vmem>>, vector<1x16xi32>,
      %swap3A_320 = vector.shape_cast %swap3A_319 : vector<1x16xi32> to vector<16xi32>
      %swap3A_321 = vector.shape_cast %select_n3A : vector<16xi32> to vector<1x16xi32>
      tpu.vector_store %arg5[%swap3A_317, %swap3A_318], %swap3A_321 {strides = array<i32>} : memref<14x128xi32, #tpu.memory_space<vmem>>, vector<1x16xi32>,
    }
    %scan3A_66 = arith.constant 8 : i32
    %scan3A_67 = arith.constant 0 : i32
    %scan3A_68 = arith.constant 8 : i32
    %scan3A_69 = arith.addi %scan3A_67, %scan3A_68 : i32
    %scan3A_70 = arith.constant 1 : i32
    scf.for %scan3A_291 = %scan3A_67 to %scan3A_69 step %scan3A_70  : i32 {
      %mul3A_292 = arith.constant 16 : i32
      %mul3A_293 = arith.muli %scan3A_291, %mul3A_292 : i32
      %add3A_294 = arith.constant 0 : i32
      %add3A_295 = arith.addi %add3A_294, %mul3A_293 : i32
      %add3A_296 = arith.constant 768 : i32
      %add3A_297 = arith.addi %add3A_296, %add3A_295 : i32
      %get3A = arith.constant 1 : i32
      %get3A_298 = arith.index_cast %get3A : i32 to index
      %get3A_299 = arith.index_cast %add3A_297 : i32 to index
      %get3A_300 = tpu.vector_load %arg4[%get3A_298, %get3A_299] {strides = array<i32>} : memref<2x1792xi32, #tpu.memory_space<vmem>>, vector<1x16xi32>,
      %get3A_301 = vector.shape_cast %get3A_300 : vector<1x16xi32> to vector<16xi32>
      %get3A_302 = arith.constant 0 : i32
      %get3A_303 = arith.index_cast %get3A_302 : i32 to index
      %get3A_304 = arith.index_cast %add3A_297 : i32 to index
      %get3A_305 = tpu.vector_load %arg4[%get3A_303, %get3A_304] {strides = array<i32>} : memref<2x1792xi32, #tpu.memory_space<vmem>>, vector<1x16xi32>,
      %get3A_306 = vector.shape_cast %get3A_305 : vector<1x16xi32> to vector<16xi32>
      %mul3A_307 = arith.constant 512 : i32
      %mul3A_308 = arith.muli %mul3A_307, %arg0 : i32
      %sub3A_309 = vector.broadcast %mul3A_308 : i32 to vector<16xi32>
      %sub3A_310 = arith.subi %get3A_306, %sub3A_309 : vector<16xi32>
      %ge3A = arith.constant 0 : i32
      %ge3A_311 = vector.broadcast %ge3A : i32 to vector<16xi32>
      %ge3A_312 = arith.cmpi sge, %sub3A_310, %ge3A_311 : vector<16xi32>
      %lt3A = vector.broadcast %sub3A_3 : i32 to vector<16xi32>
      %lt3A_313 = arith.cmpi slt, %sub3A_310, %lt3A : vector<16xi32>
      %and3A = arith.andi %ge3A_312, %lt3A_313 : vector<16xi1>
      %mul3A_314 = vector.broadcast %sub3A_3 : i32 to vector<16xi32>
      %mul3A_315 = arith.muli %get3A_301, %mul3A_314 : vector<16xi32>
      %add3A_316 = arith.addi %mul3A_315, %sub3A_310 : vector<16xi32>
      %select_n3A = arith.select %and3A, %add3A_316, %add3A_36 : vector<16xi1>, vector<16xi32>
      %swap3A = arith.constant 6 : i32
      %swap3A_317 = arith.index_cast %swap3A : i32 to index
      %swap3A_318 = arith.index_cast %add3A_295 : i32 to index
      %swap3A_319 = tpu.vector_load %arg5[%swap3A_317, %swap3A_318] {strides = array<i32>} : memref<14x128xi32, #tpu.memory_space<vmem>>, vector<1x16xi32>,
      %swap3A_320 = vector.shape_cast %swap3A_319 : vector<1x16xi32> to vector<16xi32>
      %swap3A_321 = vector.shape_cast %select_n3A : vector<16xi32> to vector<1x16xi32>
      tpu.vector_store %arg5[%swap3A_317, %swap3A_318], %swap3A_321 {strides = array<i32>} : memref<14x128xi32, #tpu.memory_space<vmem>>, vector<1x16xi32>,
    }
    %scan3A_71 = arith.constant 8 : i32
    %scan3A_72 = arith.constant 0 : i32
    %scan3A_73 = arith.constant 8 : i32
    %scan3A_74 = arith.addi %scan3A_72, %scan3A_73 : i32
    %scan3A_75 = arith.constant 1 : i32
    scf.for %scan3A_291 = %scan3A_72 to %scan3A_74 step %scan3A_75  : i32 {
      %mul3A_292 = arith.constant 16 : i32
      %mul3A_293 = arith.muli %scan3A_291, %mul3A_292 : i32
      %add3A_294 = arith.constant 0 : i32
      %add3A_295 = arith.addi %add3A_294, %mul3A_293 : i32
      %add3A_296 = arith.constant 896 : i32
      %add3A_297 = arith.addi %add3A_296, %add3A_295 : i32
      %get3A = arith.constant 1 : i32
      %get3A_298 = arith.index_cast %get3A : i32 to index
      %get3A_299 = arith.index_cast %add3A_297 : i32 to index
      %get3A_300 = tpu.vector_load %arg4[%get3A_298, %get3A_299] {strides = array<i32>} : memref<2x1792xi32, #tpu.memory_space<vmem>>, vector<1x16xi32>,
      %get3A_301 = vector.shape_cast %get3A_300 : vector<1x16xi32> to vector<16xi32>
      %get3A_302 = arith.constant 0 : i32
      %get3A_303 = arith.index_cast %get3A_302 : i32 to index
      %get3A_304 = arith.index_cast %add3A_297 : i32 to index
      %get3A_305 = tpu.vector_load %arg4[%get3A_303, %get3A_304] {strides = array<i32>} : memref<2x1792xi32, #tpu.memory_space<vmem>>, vector<1x16xi32>,
      %get3A_306 = vector.shape_cast %get3A_305 : vector<1x16xi32> to vector<16xi32>
      %mul3A_307 = arith.constant 512 : i32
      %mul3A_308 = arith.muli %mul3A_307, %arg0 : i32
      %sub3A_309 = vector.broadcast %mul3A_308 : i32 to vector<16xi32>
      %sub3A_310 = arith.subi %get3A_306, %sub3A_309 : vector<16xi32>
      %ge3A = arith.constant 0 : i32
      %ge3A_311 = vector.broadcast %ge3A : i32 to vector<16xi32>
      %ge3A_312 = arith.cmpi sge, %sub3A_310, %ge3A_311 : vector<16xi32>
      %lt3A = vector.broadcast %sub3A_3 : i32 to vector<16xi32>
      %lt3A_313 = arith.cmpi slt, %sub3A_310, %lt3A : vector<16xi32>
      %and3A = arith.andi %ge3A_312, %lt3A_313 : vector<16xi1>
      %mul3A_314 = vector.broadcast %sub3A_3 : i32 to vector<16xi32>
      %mul3A_315 = arith.muli %get3A_301, %mul3A_314 : vector<16xi32>
      %add3A_316 = arith.addi %mul3A_315, %sub3A_310 : vector<16xi32>
      %select_n3A = arith.select %and3A, %add3A_316, %add3A_36 : vector<16xi1>, vector<16xi32>
      %swap3A = arith.constant 7 : i32
      %swap3A_317 = arith.index_cast %swap3A : i32 to index
      %swap3A_318 = arith.index_cast %add3A_295 : i32 to index
      %swap3A_319 = tpu.vector_load %arg5[%swap3A_317, %swap3A_318] {strides = array<i32>} : memref<14x128xi32, #tpu.memory_space<vmem>>, vector<1x16xi32>,
      %swap3A_320 = vector.shape_cast %swap3A_319 : vector<1x16xi32> to vector<16xi32>
      %swap3A_321 = vector.shape_cast %select_n3A : vector<16xi32> to vector<1x16xi32>
      tpu.vector_store %arg5[%swap3A_317, %swap3A_318], %swap3A_321 {strides = array<i32>} : memref<14x128xi32, #tpu.memory_space<vmem>>, vector<1x16xi32>,
    }
    %scan3A_76 = arith.constant 8 : i32
    %scan3A_77 = arith.constant 0 : i32
    %scan3A_78 = arith.constant 8 : i32
    %scan3A_79 = arith.addi %scan3A_77, %scan3A_78 : i32
    %scan3A_80 = arith.constant 1 : i32
    scf.for %scan3A_291 = %scan3A_77 to %scan3A_79 step %scan3A_80  : i32 {
      %mul3A_292 = arith.constant 16 : i32
      %mul3A_293 = arith.muli %scan3A_291, %mul3A_292 : i32
      %add3A_294 = arith.constant 0 : i32
      %add3A_295 = arith.addi %add3A_294, %mul3A_293 : i32
      %add3A_296 = arith.constant 1024 : i32
      %add3A_297 = arith.addi %add3A_296, %add3A_295 : i32
      %get3A = arith.constant 1 : i32
      %get3A_298 = arith.index_cast %get3A : i32 to index
      %get3A_299 = arith.index_cast %add3A_297 : i32 to index
      %get3A_300 = tpu.vector_load %arg4[%get3A_298, %get3A_299] {strides = array<i32>} : memref<2x1792xi32, #tpu.memory_space<vmem>>, vector<1x16xi32>,
      %get3A_301 = vector.shape_cast %get3A_300 : vector<1x16xi32> to vector<16xi32>
      %get3A_302 = arith.constant 0 : i32
      %get3A_303 = arith.index_cast %get3A_302 : i32 to index
      %get3A_304 = arith.index_cast %add3A_297 : i32 to index
      %get3A_305 = tpu.vector_load %arg4[%get3A_303, %get3A_304] {strides = array<i32>} : memref<2x1792xi32, #tpu.memory_space<vmem>>, vector<1x16xi32>,
      %get3A_306 = vector.shape_cast %get3A_305 : vector<1x16xi32> to vector<16xi32>
      %mul3A_307 = arith.constant 512 : i32
      %mul3A_308 = arith.muli %mul3A_307, %arg0 : i32
      %sub3A_309 = vector.broadcast %mul3A_308 : i32 to vector<16xi32>
      %sub3A_310 = arith.subi %get3A_306, %sub3A_309 : vector<16xi32>
      %ge3A = arith.constant 0 : i32
      %ge3A_311 = vector.broadcast %ge3A : i32 to vector<16xi32>
      %ge3A_312 = arith.cmpi sge, %sub3A_310, %ge3A_311 : vector<16xi32>
      %lt3A = vector.broadcast %sub3A_3 : i32 to vector<16xi32>
      %lt3A_313 = arith.cmpi slt, %sub3A_310, %lt3A : vector<16xi32>
      %and3A = arith.andi %ge3A_312, %lt3A_313 : vector<16xi1>
      %mul3A_314 = vector.broadcast %sub3A_3 : i32 to vector<16xi32>
      %mul3A_315 = arith.muli %get3A_301, %mul3A_314 : vector<16xi32>
      %add3A_316 = arith.addi %mul3A_315, %sub3A_310 : vector<16xi32>
      %select_n3A = arith.select %and3A, %add3A_316, %add3A_36 : vector<16xi1>, vector<16xi32>
      %swap3A = arith.constant 8 : i32
      %swap3A_317 = arith.index_cast %swap3A : i32 to index
      %swap3A_318 = arith.index_cast %add3A_295 : i32 to index
      %swap3A_319 = tpu.vector_load %arg5[%swap3A_317, %swap3A_318] {strides = array<i32>} : memref<14x128xi32, #tpu.memory_space<vmem>>, vector<1x16xi32>,
      %swap3A_320 = vector.shape_cast %swap3A_319 : vector<1x16xi32> to vector<16xi32>
      %swap3A_321 = vector.shape_cast %select_n3A : vector<16xi32> to vector<1x16xi32>
      tpu.vector_store %arg5[%swap3A_317, %swap3A_318], %swap3A_321 {strides = array<i32>} : memref<14x128xi32, #tpu.memory_space<vmem>>, vector<1x16xi32>,
    }
    %scan3A_81 = arith.constant 8 : i32
    %scan3A_82 = arith.constant 0 : i32
    %scan3A_83 = arith.constant 8 : i32
    %scan3A_84 = arith.addi %scan3A_82, %scan3A_83 : i32
    %scan3A_85 = arith.constant 1 : i32
    scf.for %scan3A_291 = %scan3A_82 to %scan3A_84 step %scan3A_85  : i32 {
      %mul3A_292 = arith.constant 16 : i32
      %mul3A_293 = arith.muli %scan3A_291, %mul3A_292 : i32
      %add3A_294 = arith.constant 0 : i32
      %add3A_295 = arith.addi %add3A_294, %mul3A_293 : i32
      %add3A_296 = arith.constant 1152 : i32
      %add3A_297 = arith.addi %add3A_296, %add3A_295 : i32
      %get3A = arith.constant 1 : i32
      %get3A_298 = arith.index_cast %get3A : i32 to index
      %get3A_299 = arith.index_cast %add3A_297 : i32 to index
      %get3A_300 = tpu.vector_load %arg4[%get3A_298, %get3A_299] {strides = array<i32>} : memref<2x1792xi32, #tpu.memory_space<vmem>>, vector<1x16xi32>,
      %get3A_301 = vector.shape_cast %get3A_300 : vector<1x16xi32> to vector<16xi32>
      %get3A_302 = arith.constant 0 : i32
      %get3A_303 = arith.index_cast %get3A_302 : i32 to index
      %get3A_304 = arith.index_cast %add3A_297 : i32 to index
      %get3A_305 = tpu.vector_load %arg4[%get3A_303, %get3A_304] {strides = array<i32>} : memref<2x1792xi32, #tpu.memory_space<vmem>>, vector<1x16xi32>,
      %get3A_306 = vector.shape_cast %get3A_305 : vector<1x16xi32> to vector<16xi32>
      %mul3A_307 = arith.constant 512 : i32
      %mul3A_308 = arith.muli %mul3A_307, %arg0 : i32
      %sub3A_309 = vector.broadcast %mul3A_308 : i32 to vector<16xi32>
      %sub3A_310 = arith.subi %get3A_306, %sub3A_309 : vector<16xi32>
      %ge3A = arith.constant 0 : i32
      %ge3A_311 = vector.broadcast %ge3A : i32 to vector<16xi32>
      %ge3A_312 = arith.cmpi sge, %sub3A_310, %ge3A_311 : vector<16xi32>
      %lt3A = vector.broadcast %sub3A_3 : i32 to vector<16xi32>
      %lt3A_313 = arith.cmpi slt, %sub3A_310, %lt3A : vector<16xi32>
      %and3A = arith.andi %ge3A_312, %lt3A_313 : vector<16xi1>
      %mul3A_314 = vector.broadcast %sub3A_3 : i32 to vector<16xi32>
      %mul3A_315 = arith.muli %get3A_301, %mul3A_314 : vector<16xi32>
      %add3A_316 = arith.addi %mul3A_315, %sub3A_310 : vector<16xi32>
      %select_n3A = arith.select %and3A, %add3A_316, %add3A_36 : vector<16xi1>, vector<16xi32>
      %swap3A = arith.constant 9 : i32
      %swap3A_317 = arith.index_cast %swap3A : i32 to index
      %swap3A_318 = arith.index_cast %add3A_295 : i32 to index
      %swap3A_319 = tpu.vector_load %arg5[%swap3A_317, %swap3A_318] {strides = array<i32>} : memref<14x128xi32, #tpu.memory_space<vmem>>, vector<1x16xi32>,
      %swap3A_320 = vector.shape_cast %swap3A_319 : vector<1x16xi32> to vector<16xi32>
      %swap3A_321 = vector.shape_cast %select_n3A : vector<16xi32> to vector<1x16xi32>
      tpu.vector_store %arg5[%swap3A_317, %swap3A_318], %swap3A_321 {strides = array<i32>} : memref<14x128xi32, #tpu.memory_space<vmem>>, vector<1x16xi32>,
    }
    %scan3A_86 = arith.constant 8 : i32
    %scan3A_87 = arith.constant 0 : i32
    %scan3A_88 = arith.constant 8 : i32
    %scan3A_89 = arith.addi %scan3A_87, %scan3A_88 : i32
    %scan3A_90 = arith.constant 1 : i32
    scf.for %scan3A_291 = %scan3A_87 to %scan3A_89 step %scan3A_90  : i32 {
      %mul3A_292 = arith.constant 16 : i32
      %mul3A_293 = arith.muli %scan3A_291, %mul3A_292 : i32
      %add3A_294 = arith.constant 0 : i32
      %add3A_295 = arith.addi %add3A_294, %mul3A_293 : i32
      %add3A_296 = arith.constant 1280 : i32
      %add3A_297 = arith.addi %add3A_296, %add3A_295 : i32
      %get3A = arith.constant 1 : i32
      %get3A_298 = arith.index_cast %get3A : i32 to index
      %get3A_299 = arith.index_cast %add3A_297 : i32 to index
      %get3A_300 = tpu.vector_load %arg4[%get3A_298, %get3A_299] {strides = array<i32>} : memref<2x1792xi32, #tpu.memory_space<vmem>>, vector<1x16xi32>,
      %get3A_301 = vector.shape_cast %get3A_300 : vector<1x16xi32> to vector<16xi32>
      %get3A_302 = arith.constant 0 : i32
      %get3A_303 = arith.index_cast %get3A_302 : i32 to index
      %get3A_304 = arith.index_cast %add3A_297 : i32 to index
      %get3A_305 = tpu.vector_load %arg4[%get3A_303, %get3A_304] {strides = array<i32>} : memref<2x1792xi32, #tpu.memory_space<vmem>>, vector<1x16xi32>,
      %get3A_306 = vector.shape_cast %get3A_305 : vector<1x16xi32> to vector<16xi32>
      %mul3A_307 = arith.constant 512 : i32
      %mul3A_308 = arith.muli %mul3A_307, %arg0 : i32
      %sub3A_309 = vector.broadcast %mul3A_308 : i32 to vector<16xi32>
      %sub3A_310 = arith.subi %get3A_306, %sub3A_309 : vector<16xi32>
      %ge3A = arith.constant 0 : i32
      %ge3A_311 = vector.broadcast %ge3A : i32 to vector<16xi32>
      %ge3A_312 = arith.cmpi sge, %sub3A_310, %ge3A_311 : vector<16xi32>
      %lt3A = vector.broadcast %sub3A_3 : i32 to vector<16xi32>
      %lt3A_313 = arith.cmpi slt, %sub3A_310, %lt3A : vector<16xi32>
      %and3A = arith.andi %ge3A_312, %lt3A_313 : vector<16xi1>
      %mul3A_314 = vector.broadcast %sub3A_3 : i32 to vector<16xi32>
      %mul3A_315 = arith.muli %get3A_301, %mul3A_314 : vector<16xi32>
      %add3A_316 = arith.addi %mul3A_315, %sub3A_310 : vector<16xi32>
      %select_n3A = arith.select %and3A, %add3A_316, %add3A_36 : vector<16xi1>, vector<16xi32>
      %swap3A = arith.constant 10 : i32
      %swap3A_317 = arith.index_cast %swap3A : i32 to index
      %swap3A_318 = arith.index_cast %add3A_295 : i32 to index
      %swap3A_319 = tpu.vector_load %arg5[%swap3A_317, %swap3A_318] {strides = array<i32>} : memref<14x128xi32, #tpu.memory_space<vmem>>, vector<1x16xi32>,
      %swap3A_320 = vector.shape_cast %swap3A_319 : vector<1x16xi32> to vector<16xi32>
      %swap3A_321 = vector.shape_cast %select_n3A : vector<16xi32> to vector<1x16xi32>
      tpu.vector_store %arg5[%swap3A_317, %swap3A_318], %swap3A_321 {strides = array<i32>} : memref<14x128xi32, #tpu.memory_space<vmem>>, vector<1x16xi32>,
    }
    %scan3A_91 = arith.constant 8 : i32
    %scan3A_92 = arith.constant 0 : i32
    %scan3A_93 = arith.constant 8 : i32
    %scan3A_94 = arith.addi %scan3A_92, %scan3A_93 : i32
    %scan3A_95 = arith.constant 1 : i32
    scf.for %scan3A_291 = %scan3A_92 to %scan3A_94 step %scan3A_95  : i32 {
      %mul3A_292 = arith.constant 16 : i32
      %mul3A_293 = arith.muli %scan3A_291, %mul3A_292 : i32
      %add3A_294 = arith.constant 0 : i32
      %add3A_295 = arith.addi %add3A_294, %mul3A_293 : i32
      %add3A_296 = arith.constant 1408 : i32
      %add3A_297 = arith.addi %add3A_296, %add3A_295 : i32
      %get3A = arith.constant 1 : i32
      %get3A_298 = arith.index_cast %get3A : i32 to index
      %get3A_299 = arith.index_cast %add3A_297 : i32 to index
      %get3A_300 = tpu.vector_load %arg4[%get3A_298, %get3A_299] {strides = array<i32>} : memref<2x1792xi32, #tpu.memory_space<vmem>>, vector<1x16xi32>,
      %get3A_301 = vector.shape_cast %get3A_300 : vector<1x16xi32> to vector<16xi32>
      %get3A_302 = arith.constant 0 : i32
      %get3A_303 = arith.index_cast %get3A_302 : i32 to index
      %get3A_304 = arith.index_cast %add3A_297 : i32 to index
      %get3A_305 = tpu.vector_load %arg4[%get3A_303, %get3A_304] {strides = array<i32>} : memref<2x1792xi32, #tpu.memory_space<vmem>>, vector<1x16xi32>,
      %get3A_306 = vector.shape_cast %get3A_305 : vector<1x16xi32> to vector<16xi32>
      %mul3A_307 = arith.constant 512 : i32
      %mul3A_308 = arith.muli %mul3A_307, %arg0 : i32
      %sub3A_309 = vector.broadcast %mul3A_308 : i32 to vector<16xi32>
      %sub3A_310 = arith.subi %get3A_306, %sub3A_309 : vector<16xi32>
      %ge3A = arith.constant 0 : i32
      %ge3A_311 = vector.broadcast %ge3A : i32 to vector<16xi32>
      %ge3A_312 = arith.cmpi sge, %sub3A_310, %ge3A_311 : vector<16xi32>
      %lt3A = vector.broadcast %sub3A_3 : i32 to vector<16xi32>
      %lt3A_313 = arith.cmpi slt, %sub3A_310, %lt3A : vector<16xi32>
      %and3A = arith.andi %ge3A_312, %lt3A_313 : vector<16xi1>
      %mul3A_314 = vector.broadcast %sub3A_3 : i32 to vector<16xi32>
      %mul3A_315 = arith.muli %get3A_301, %mul3A_314 : vector<16xi32>
      %add3A_316 = arith.addi %mul3A_315, %sub3A_310 : vector<16xi32>
      %select_n3A = arith.select %and3A, %add3A_316, %add3A_36 : vector<16xi1>, vector<16xi32>
      %swap3A = arith.constant 11 : i32
      %swap3A_317 = arith.index_cast %swap3A : i32 to index
      %swap3A_318 = arith.index_cast %add3A_295 : i32 to index
      %swap3A_319 = tpu.vector_load %arg5[%swap3A_317, %swap3A_318] {strides = array<i32>} : memref<14x128xi32, #tpu.memory_space<vmem>>, vector<1x16xi32>,
      %swap3A_320 = vector.shape_cast %swap3A_319 : vector<1x16xi32> to vector<16xi32>
      %swap3A_321 = vector.shape_cast %select_n3A : vector<16xi32> to vector<1x16xi32>
      tpu.vector_store %arg5[%swap3A_317, %swap3A_318], %swap3A_321 {strides = array<i32>} : memref<14x128xi32, #tpu.memory_space<vmem>>, vector<1x16xi32>,
    }
    %scan3A_96 = arith.constant 8 : i32
    %scan3A_97 = arith.constant 0 : i32
    %scan3A_98 = arith.constant 8 : i32
    %scan3A_99 = arith.addi %scan3A_97, %scan3A_98 : i32
    %scan3A_100 = arith.constant 1 : i32
    scf.for %scan3A_291 = %scan3A_97 to %scan3A_99 step %scan3A_100  : i32 {
      %mul3A_292 = arith.constant 16 : i32
      %mul3A_293 = arith.muli %scan3A_291, %mul3A_292 : i32
      %add3A_294 = arith.constant 0 : i32
      %add3A_295 = arith.addi %add3A_294, %mul3A_293 : i32
      %add3A_296 = arith.constant 1536 : i32
      %add3A_297 = arith.addi %add3A_296, %add3A_295 : i32
      %get3A = arith.constant 1 : i32
      %get3A_298 = arith.index_cast %get3A : i32 to index
      %get3A_299 = arith.index_cast %add3A_297 : i32 to index
      %get3A_300 = tpu.vector_load %arg4[%get3A_298, %get3A_299] {strides = array<i32>} : memref<2x1792xi32, #tpu.memory_space<vmem>>, vector<1x16xi32>,
      %get3A_301 = vector.shape_cast %get3A_300 : vector<1x16xi32> to vector<16xi32>
      %get3A_302 = arith.constant 0 : i32
      %get3A_303 = arith.index_cast %get3A_302 : i32 to index
      %get3A_304 = arith.index_cast %add3A_297 : i32 to index
      %get3A_305 = tpu.vector_load %arg4[%get3A_303, %get3A_304] {strides = array<i32>} : memref<2x1792xi32, #tpu.memory_space<vmem>>, vector<1x16xi32>,
      %get3A_306 = vector.shape_cast %get3A_305 : vector<1x16xi32> to vector<16xi32>
      %mul3A_307 = arith.constant 512 : i32
      %mul3A_308 = arith.muli %mul3A_307, %arg0 : i32
      %sub3A_309 = vector.broadcast %mul3A_308 : i32 to vector<16xi32>
      %sub3A_310 = arith.subi %get3A_306, %sub3A_309 : vector<16xi32>
      %ge3A = arith.constant 0 : i32
      %ge3A_311 = vector.broadcast %ge3A : i32 to vector<16xi32>
      %ge3A_312 = arith.cmpi sge, %sub3A_310, %ge3A_311 : vector<16xi32>
      %lt3A = vector.broadcast %sub3A_3 : i32 to vector<16xi32>
      %lt3A_313 = arith.cmpi slt, %sub3A_310, %lt3A : vector<16xi32>
      %and3A = arith.andi %ge3A_312, %lt3A_313 : vector<16xi1>
      %mul3A_314 = vector.broadcast %sub3A_3 : i32 to vector<16xi32>
      %mul3A_315 = arith.muli %get3A_301, %mul3A_314 : vector<16xi32>
      %add3A_316 = arith.addi %mul3A_315, %sub3A_310 : vector<16xi32>
      %select_n3A = arith.select %and3A, %add3A_316, %add3A_36 : vector<16xi1>, vector<16xi32>
      %swap3A = arith.constant 12 : i32
      %swap3A_317 = arith.index_cast %swap3A : i32 to index
      %swap3A_318 = arith.index_cast %add3A_295 : i32 to index
      %swap3A_319 = tpu.vector_load %arg5[%swap3A_317, %swap3A_318] {strides = array<i32>} : memref<14x128xi32, #tpu.memory_space<vmem>>, vector<1x16xi32>,
      %swap3A_320 = vector.shape_cast %swap3A_319 : vector<1x16xi32> to vector<16xi32>
      %swap3A_321 = vector.shape_cast %select_n3A : vector<16xi32> to vector<1x16xi32>
      tpu.vector_store %arg5[%swap3A_317, %swap3A_318], %swap3A_321 {strides = array<i32>} : memref<14x128xi32, #tpu.memory_space<vmem>>, vector<1x16xi32>,
    }
    %scan3A_101 = arith.constant 8 : i32
    %scan3A_102 = arith.constant 0 : i32
    %scan3A_103 = arith.constant 8 : i32
    %scan3A_104 = arith.addi %scan3A_102, %scan3A_103 : i32
    %scan3A_105 = arith.constant 1 : i32
    scf.for %scan3A_291 = %scan3A_102 to %scan3A_104 step %scan3A_105  : i32 {
      %mul3A_292 = arith.constant 16 : i32
      %mul3A_293 = arith.muli %scan3A_291, %mul3A_292 : i32
      %add3A_294 = arith.constant 0 : i32
      %add3A_295 = arith.addi %add3A_294, %mul3A_293 : i32
      %add3A_296 = arith.constant 1664 : i32
      %add3A_297 = arith.addi %add3A_296, %add3A_295 : i32
      %get3A = arith.constant 1 : i32
      %get3A_298 = arith.index_cast %get3A : i32 to index
      %get3A_299 = arith.index_cast %add3A_297 : i32 to index
      %get3A_300 = tpu.vector_load %arg4[%get3A_298, %get3A_299] {strides = array<i32>} : memref<2x1792xi32, #tpu.memory_space<vmem>>, vector<1x16xi32>,
      %get3A_301 = vector.shape_cast %get3A_300 : vector<1x16xi32> to vector<16xi32>
      %get3A_302 = arith.constant 0 : i32
      %get3A_303 = arith.index_cast %get3A_302 : i32 to index
      %get3A_304 = arith.index_cast %add3A_297 : i32 to index
      %get3A_305 = tpu.vector_load %arg4[%get3A_303, %get3A_304] {strides = array<i32>} : memref<2x1792xi32, #tpu.memory_space<vmem>>, vector<1x16xi32>,
      %get3A_306 = vector.shape_cast %get3A_305 : vector<1x16xi32> to vector<16xi32>
      %mul3A_307 = arith.constant 512 : i32
      %mul3A_308 = arith.muli %mul3A_307, %arg0 : i32
      %sub3A_309 = vector.broadcast %mul3A_308 : i32 to vector<16xi32>
      %sub3A_310 = arith.subi %get3A_306, %sub3A_309 : vector<16xi32>
      %ge3A = arith.constant 0 : i32
      %ge3A_311 = vector.broadcast %ge3A : i32 to vector<16xi32>
      %ge3A_312 = arith.cmpi sge, %sub3A_310, %ge3A_311 : vector<16xi32>
      %lt3A = vector.broadcast %sub3A_3 : i32 to vector<16xi32>
      %lt3A_313 = arith.cmpi slt, %sub3A_310, %lt3A : vector<16xi32>
      %and3A = arith.andi %ge3A_312, %lt3A_313 : vector<16xi1>
      %mul3A_314 = vector.broadcast %sub3A_3 : i32 to vector<16xi32>
      %mul3A_315 = arith.muli %get3A_301, %mul3A_314 : vector<16xi32>
      %add3A_316 = arith.addi %mul3A_315, %sub3A_310 : vector<16xi32>
      %select_n3A = arith.select %and3A, %add3A_316, %add3A_36 : vector<16xi1>, vector<16xi32>
      %swap3A = arith.constant 13 : i32
      %swap3A_317 = arith.index_cast %swap3A : i32 to index
      %swap3A_318 = arith.index_cast %add3A_295 : i32 to index
      %swap3A_319 = tpu.vector_load %arg5[%swap3A_317, %swap3A_318] {strides = array<i32>} : memref<14x128xi32, #tpu.memory_space<vmem>>, vector<1x16xi32>,
      %swap3A_320 = vector.shape_cast %swap3A_319 : vector<1x16xi32> to vector<16xi32>
      %swap3A_321 = vector.shape_cast %select_n3A : vector<16xi32> to vector<1x16xi32>
      tpu.vector_store %arg5[%swap3A_317, %swap3A_318], %swap3A_321 {strides = array<i32>} : memref<14x128xi32, #tpu.memory_space<vmem>>, vector<1x16xi32>,
    }
    %scan3A_106 = arith.constant 8 : i32
    %dma_wait3A = tpu.memref_slice %arg8[%add3A_13] : memref<458752xf32, #tpu.memory_space<vmem_shared>> -> memref<7168xf32, #tpu.memory_space<vmem_shared>>
    %dma_wait3A_107 = tpu.memref_slice %arg8[%add3A_13] : memref<458752xf32, #tpu.memory_space<vmem_shared>> -> memref<7168xf32, #tpu.memory_space<vmem_shared>>
    tpu.wait_dma2 semaphore(%arg9 : memref<!tpu.dma_semaphore, #tpu.memory_space<semaphore_mem>>) src(%arg7 : memref<7168xf32, #tpu.memory_space<vmem>>) dst(%dma_wait3A_107 : memref<7168xf32, #tpu.memory_space<vmem_shared>>)
    %dma_wait3A_108 = tpu.memref_slice %arg8[%add3A_16] : memref<458752xf32, #tpu.memory_space<vmem_shared>> -> memref<7168xf32, #tpu.memory_space<vmem_shared>>
    %dma_wait3A_109 = tpu.memref_slice %arg8[%add3A_16] : memref<458752xf32, #tpu.memory_space<vmem_shared>> -> memref<7168xf32, #tpu.memory_space<vmem_shared>>
    tpu.wait_dma2 semaphore(%arg9 : memref<!tpu.dma_semaphore, #tpu.memory_space<semaphore_mem>>) src(%arg7 : memref<7168xf32, #tpu.memory_space<vmem>>) dst(%dma_wait3A_109 : memref<7168xf32, #tpu.memory_space<vmem_shared>>)
    %dma_wait3A_110 = tpu.memref_slice %arg8[%add3A_20] : memref<458752xf32, #tpu.memory_space<vmem_shared>> -> memref<7168xf32, #tpu.memory_space<vmem_shared>>
    %dma_wait3A_111 = tpu.memref_slice %arg8[%add3A_20] : memref<458752xf32, #tpu.memory_space<vmem_shared>> -> memref<7168xf32, #tpu.memory_space<vmem_shared>>
    tpu.wait_dma2 semaphore(%arg9 : memref<!tpu.dma_semaphore, #tpu.memory_space<semaphore_mem>>) src(%arg7 : memref<7168xf32, #tpu.memory_space<vmem>>) dst(%dma_wait3A_111 : memref<7168xf32, #tpu.memory_space<vmem_shared>>)
    %barrier3A = arith.constant 0 : index
    tpu.barrier barrier_id(%barrier3A)
    %dma_start3A_112 = arith.constant 0 : i32
    %dma_start3A_113 = arith.constant 0 : i32
    %dma_start3A_114 = tpu.memref_slice %arg5[%dma_start3A_112, %dma_start3A_113] : memref<14x128xi32, #tpu.memory_space<vmem>> -> memref<1x128xi32, #tpu.memory_space<vmem>>
    %dma_start3A_115 = tpu.memref_squeeze %dma_start3A_114 : memref<1x128xi32, #tpu.memory_space<vmem>> -> memref<128xi32, #tpu.memory_space<vmem>>
    %dma_start3A_116 = arith.constant 0 : i32
    %dma_start3A_117 = tpu.memref_slice %arg8[%dma_start3A_116] : memref<458752xf32, #tpu.memory_space<vmem_shared>> -> memref<458752xf32, #tpu.memory_space<vmem_shared>>
    tpu.enqueue_indirect_dma source(%arg6 : memref<128xf32, #tpu.memory_space<vmem>>) target(%dma_start3A_117 : memref<458752xf32, #tpu.memory_space<vmem_shared>>) offsets(%dma_start3A_115 : memref<128xi32, #tpu.memory_space<vmem>>) semaphore(%arg9 : memref<!tpu.dma_semaphore, #tpu.memory_space<semaphore_mem>>) {add = true}
    %dma_start3A_118 = arith.constant 1 : i32
    %dma_start3A_119 = arith.constant 0 : i32
    %dma_start3A_120 = tpu.memref_slice %arg5[%dma_start3A_118, %dma_start3A_119] : memref<14x128xi32, #tpu.memory_space<vmem>> -> memref<1x128xi32, #tpu.memory_space<vmem>>
    %dma_start3A_121 = tpu.memref_squeeze %dma_start3A_120 : memref<1x128xi32, #tpu.memory_space<vmem>> -> memref<128xi32, #tpu.memory_space<vmem>>
    %dma_start3A_122 = arith.constant 0 : i32
    %dma_start3A_123 = tpu.memref_slice %arg8[%dma_start3A_122] : memref<458752xf32, #tpu.memory_space<vmem_shared>> -> memref<458752xf32, #tpu.memory_space<vmem_shared>>
    tpu.enqueue_indirect_dma source(%arg6 : memref<128xf32, #tpu.memory_space<vmem>>) target(%dma_start3A_123 : memref<458752xf32, #tpu.memory_space<vmem_shared>>) offsets(%dma_start3A_121 : memref<128xi32, #tpu.memory_space<vmem>>) semaphore(%arg9 : memref<!tpu.dma_semaphore, #tpu.memory_space<semaphore_mem>>) {add = true}
    %dma_start3A_124 = arith.constant 2 : i32
    %dma_start3A_125 = arith.constant 0 : i32
    %dma_start3A_126 = tpu.memref_slice %arg5[%dma_start3A_124, %dma_start3A_125] : memref<14x128xi32, #tpu.memory_space<vmem>> -> memref<1x128xi32, #tpu.memory_space<vmem>>
    %dma_start3A_127 = tpu.memref_squeeze %dma_start3A_126 : memref<1x128xi32, #tpu.memory_space<vmem>> -> memref<128xi32, #tpu.memory_space<vmem>>
    %dma_start3A_128 = arith.constant 0 : i32
    %dma_start3A_129 = tpu.memref_slice %arg8[%dma_start3A_128] : memref<458752xf32, #tpu.memory_space<vmem_shared>> -> memref<458752xf32, #tpu.memory_space<vmem_shared>>
    tpu.enqueue_indirect_dma source(%arg6 : memref<128xf32, #tpu.memory_space<vmem>>) target(%dma_start3A_129 : memref<458752xf32, #tpu.memory_space<vmem_shared>>) offsets(%dma_start3A_127 : memref<128xi32, #tpu.memory_space<vmem>>) semaphore(%arg9 : memref<!tpu.dma_semaphore, #tpu.memory_space<semaphore_mem>>) {add = true}
    %dma_start3A_130 = arith.constant 3 : i32
    %dma_start3A_131 = arith.constant 0 : i32
    %dma_start3A_132 = tpu.memref_slice %arg5[%dma_start3A_130, %dma_start3A_131] : memref<14x128xi32, #tpu.memory_space<vmem>> -> memref<1x128xi32, #tpu.memory_space<vmem>>
    %dma_start3A_133 = tpu.memref_squeeze %dma_start3A_132 : memref<1x128xi32, #tpu.memory_space<vmem>> -> memref<128xi32, #tpu.memory_space<vmem>>
    %dma_start3A_134 = arith.constant 0 : i32
    %dma_start3A_135 = tpu.memref_slice %arg8[%dma_start3A_134] : memref<458752xf32, #tpu.memory_space<vmem_shared>> -> memref<458752xf32, #tpu.memory_space<vmem_shared>>
    tpu.enqueue_indirect_dma source(%arg6 : memref<128xf32, #tpu.memory_space<vmem>>) target(%dma_start3A_135 : memref<458752xf32, #tpu.memory_space<vmem_shared>>) offsets(%dma_start3A_133 : memref<128xi32, #tpu.memory_space<vmem>>) semaphore(%arg9 : memref<!tpu.dma_semaphore, #tpu.memory_space<semaphore_mem>>) {add = true}
    %dma_start3A_136 = arith.constant 4 : i32
    %dma_start3A_137 = arith.constant 0 : i32
    %dma_start3A_138 = tpu.memref_slice %arg5[%dma_start3A_136, %dma_start3A_137] : memref<14x128xi32, #tpu.memory_space<vmem>> -> memref<1x128xi32, #tpu.memory_space<vmem>>
    %dma_start3A_139 = tpu.memref_squeeze %dma_start3A_138 : memref<1x128xi32, #tpu.memory_space<vmem>> -> memref<128xi32, #tpu.memory_space<vmem>>
    %dma_start3A_140 = arith.constant 0 : i32
    %dma_start3A_141 = tpu.memref_slice %arg8[%dma_start3A_140] : memref<458752xf32, #tpu.memory_space<vmem_shared>> -> memref<458752xf32, #tpu.memory_space<vmem_shared>>
    tpu.enqueue_indirect_dma source(%arg6 : memref<128xf32, #tpu.memory_space<vmem>>) target(%dma_start3A_141 : memref<458752xf32, #tpu.memory_space<vmem_shared>>) offsets(%dma_start3A_139 : memref<128xi32, #tpu.memory_space<vmem>>) semaphore(%arg9 : memref<!tpu.dma_semaphore, #tpu.memory_space<semaphore_mem>>) {add = true}
    %dma_start3A_142 = arith.constant 5 : i32
    %dma_start3A_143 = arith.constant 0 : i32
    %dma_start3A_144 = tpu.memref_slice %arg5[%dma_start3A_142, %dma_start3A_143] : memref<14x128xi32, #tpu.memory_space<vmem>> -> memref<1x128xi32, #tpu.memory_space<vmem>>
    %dma_start3A_145 = tpu.memref_squeeze %dma_start3A_144 : memref<1x128xi32, #tpu.memory_space<vmem>> -> memref<128xi32, #tpu.memory_space<vmem>>
    %dma_start3A_146 = arith.constant 0 : i32
    %dma_start3A_147 = tpu.memref_slice %arg8[%dma_start3A_146] : memref<458752xf32, #tpu.memory_space<vmem_shared>> -> memref<458752xf32, #tpu.memory_space<vmem_shared>>
    tpu.enqueue_indirect_dma source(%arg6 : memref<128xf32, #tpu.memory_space<vmem>>) target(%dma_start3A_147 : memref<458752xf32, #tpu.memory_space<vmem_shared>>) offsets(%dma_start3A_145 : memref<128xi32, #tpu.memory_space<vmem>>) semaphore(%arg9 : memref<!tpu.dma_semaphore, #tpu.memory_space<semaphore_mem>>) {add = true}
    %dma_start3A_148 = arith.constant 6 : i32
    %dma_start3A_149 = arith.constant 0 : i32
    %dma_start3A_150 = tpu.memref_slice %arg5[%dma_start3A_148, %dma_start3A_149] : memref<14x128xi32, #tpu.memory_space<vmem>> -> memref<1x128xi32, #tpu.memory_space<vmem>>
    %dma_start3A_151 = tpu.memref_squeeze %dma_start3A_150 : memref<1x128xi32, #tpu.memory_space<vmem>> -> memref<128xi32, #tpu.memory_space<vmem>>
    %dma_start3A_152 = arith.constant 0 : i32
    %dma_start3A_153 = tpu.memref_slice %arg8[%dma_start3A_152] : memref<458752xf32, #tpu.memory_space<vmem_shared>> -> memref<458752xf32, #tpu.memory_space<vmem_shared>>
    tpu.enqueue_indirect_dma source(%arg6 : memref<128xf32, #tpu.memory_space<vmem>>) target(%dma_start3A_153 : memref<458752xf32, #tpu.memory_space<vmem_shared>>) offsets(%dma_start3A_151 : memref<128xi32, #tpu.memory_space<vmem>>) semaphore(%arg9 : memref<!tpu.dma_semaphore, #tpu.memory_space<semaphore_mem>>) {add = true}
    %dma_start3A_154 = arith.constant 7 : i32
    %dma_start3A_155 = arith.constant 0 : i32
    %dma_start3A_156 = tpu.memref_slice %arg5[%dma_start3A_154, %dma_start3A_155] : memref<14x128xi32, #tpu.memory_space<vmem>> -> memref<1x128xi32, #tpu.memory_space<vmem>>
    %dma_start3A_157 = tpu.memref_squeeze %dma_start3A_156 : memref<1x128xi32, #tpu.memory_space<vmem>> -> memref<128xi32, #tpu.memory_space<vmem>>
    %dma_start3A_158 = arith.constant 0 : i32
    %dma_start3A_159 = tpu.memref_slice %arg8[%dma_start3A_158] : memref<458752xf32, #tpu.memory_space<vmem_shared>> -> memref<458752xf32, #tpu.memory_space<vmem_shared>>
    tpu.enqueue_indirect_dma source(%arg6 : memref<128xf32, #tpu.memory_space<vmem>>) target(%dma_start3A_159 : memref<458752xf32, #tpu.memory_space<vmem_shared>>) offsets(%dma_start3A_157 : memref<128xi32, #tpu.memory_space<vmem>>) semaphore(%arg9 : memref<!tpu.dma_semaphore, #tpu.memory_space<semaphore_mem>>) {add = true}
    %dma_start3A_160 = arith.constant 8 : i32
    %dma_start3A_161 = arith.constant 0 : i32
    %dma_start3A_162 = tpu.memref_slice %arg5[%dma_start3A_160, %dma_start3A_161] : memref<14x128xi32, #tpu.memory_space<vmem>> -> memref<1x128xi32, #tpu.memory_space<vmem>>
    %dma_start3A_163 = tpu.memref_squeeze %dma_start3A_162 : memref<1x128xi32, #tpu.memory_space<vmem>> -> memref<128xi32, #tpu.memory_space<vmem>>
    %dma_start3A_164 = arith.constant 0 : i32
    %dma_start3A_165 = tpu.memref_slice %arg8[%dma_start3A_164] : memref<458752xf32, #tpu.memory_space<vmem_shared>> -> memref<458752xf32, #tpu.memory_space<vmem_shared>>
    tpu.enqueue_indirect_dma source(%arg6 : memref<128xf32, #tpu.memory_space<vmem>>) target(%dma_start3A_165 : memref<458752xf32, #tpu.memory_space<vmem_shared>>) offsets(%dma_start3A_163 : memref<128xi32, #tpu.memory_space<vmem>>) semaphore(%arg9 : memref<!tpu.dma_semaphore, #tpu.memory_space<semaphore_mem>>) {add = true}
    %dma_start3A_166 = arith.constant 9 : i32
    %dma_start3A_167 = arith.constant 0 : i32
    %dma_start3A_168 = tpu.memref_slice %arg5[%dma_start3A_166, %dma_start3A_167] : memref<14x128xi32, #tpu.memory_space<vmem>> -> memref<1x128xi32, #tpu.memory_space<vmem>>
    %dma_start3A_169 = tpu.memref_squeeze %dma_start3A_168 : memref<1x128xi32, #tpu.memory_space<vmem>> -> memref<128xi32, #tpu.memory_space<vmem>>
    %dma_start3A_170 = arith.constant 0 : i32
    %dma_start3A_171 = tpu.memref_slice %arg8[%dma_start3A_170] : memref<458752xf32, #tpu.memory_space<vmem_shared>> -> memref<458752xf32, #tpu.memory_space<vmem_shared>>
    tpu.enqueue_indirect_dma source(%arg6 : memref<128xf32, #tpu.memory_space<vmem>>) target(%dma_start3A_171 : memref<458752xf32, #tpu.memory_space<vmem_shared>>) offsets(%dma_start3A_169 : memref<128xi32, #tpu.memory_space<vmem>>) semaphore(%arg9 : memref<!tpu.dma_semaphore, #tpu.memory_space<semaphore_mem>>) {add = true}
    %dma_start3A_172 = arith.constant 10 : i32
    %dma_start3A_173 = arith.constant 0 : i32
    %dma_start3A_174 = tpu.memref_slice %arg5[%dma_start3A_172, %dma_start3A_173] : memref<14x128xi32, #tpu.memory_space<vmem>> -> memref<1x128xi32, #tpu.memory_space<vmem>>
    %dma_start3A_175 = tpu.memref_squeeze %dma_start3A_174 : memref<1x128xi32, #tpu.memory_space<vmem>> -> memref<128xi32, #tpu.memory_space<vmem>>
    %dma_start3A_176 = arith.constant 0 : i32
    %dma_start3A_177 = tpu.memref_slice %arg8[%dma_start3A_176] : memref<458752xf32, #tpu.memory_space<vmem_shared>> -> memref<458752xf32, #tpu.memory_space<vmem_shared>>
    tpu.enqueue_indirect_dma source(%arg6 : memref<128xf32, #tpu.memory_space<vmem>>) target(%dma_start3A_177 : memref<458752xf32, #tpu.memory_space<vmem_shared>>) offsets(%dma_start3A_175 : memref<128xi32, #tpu.memory_space<vmem>>) semaphore(%arg9 : memref<!tpu.dma_semaphore, #tpu.memory_space<semaphore_mem>>) {add = true}
    %dma_start3A_178 = arith.constant 11 : i32
    %dma_start3A_179 = arith.constant 0 : i32
    %dma_start3A_180 = tpu.memref_slice %arg5[%dma_start3A_178, %dma_start3A_179] : memref<14x128xi32, #tpu.memory_space<vmem>> -> memref<1x128xi32, #tpu.memory_space<vmem>>
    %dma_start3A_181 = tpu.memref_squeeze %dma_start3A_180 : memref<1x128xi32, #tpu.memory_space<vmem>> -> memref<128xi32, #tpu.memory_space<vmem>>
    %dma_start3A_182 = arith.constant 0 : i32
    %dma_start3A_183 = tpu.memref_slice %arg8[%dma_start3A_182] : memref<458752xf32, #tpu.memory_space<vmem_shared>> -> memref<458752xf32, #tpu.memory_space<vmem_shared>>
    tpu.enqueue_indirect_dma source(%arg6 : memref<128xf32, #tpu.memory_space<vmem>>) target(%dma_start3A_183 : memref<458752xf32, #tpu.memory_space<vmem_shared>>) offsets(%dma_start3A_181 : memref<128xi32, #tpu.memory_space<vmem>>) semaphore(%arg9 : memref<!tpu.dma_semaphore, #tpu.memory_space<semaphore_mem>>) {add = true}
    %dma_start3A_184 = arith.constant 12 : i32
    %dma_start3A_185 = arith.constant 0 : i32
    %dma_start3A_186 = tpu.memref_slice %arg5[%dma_start3A_184, %dma_start3A_185] : memref<14x128xi32, #tpu.memory_space<vmem>> -> memref<1x128xi32, #tpu.memory_space<vmem>>
    %dma_start3A_187 = tpu.memref_squeeze %dma_start3A_186 : memref<1x128xi32, #tpu.memory_space<vmem>> -> memref<128xi32, #tpu.memory_space<vmem>>
    %dma_start3A_188 = arith.constant 0 : i32
    %dma_start3A_189 = tpu.memref_slice %arg8[%dma_start3A_188] : memref<458752xf32, #tpu.memory_space<vmem_shared>> -> memref<458752xf32, #tpu.memory_space<vmem_shared>>
    tpu.enqueue_indirect_dma source(%arg6 : memref<128xf32, #tpu.memory_space<vmem>>) target(%dma_start3A_189 : memref<458752xf32, #tpu.memory_space<vmem_shared>>) offsets(%dma_start3A_187 : memref<128xi32, #tpu.memory_space<vmem>>) semaphore(%arg9 : memref<!tpu.dma_semaphore, #tpu.memory_space<semaphore_mem>>) {add = true}
    %dma_start3A_190 = arith.constant 13 : i32
    %dma_start3A_191 = arith.constant 0 : i32
    %dma_start3A_192 = tpu.memref_slice %arg5[%dma_start3A_190, %dma_start3A_191] : memref<14x128xi32, #tpu.memory_space<vmem>> -> memref<1x128xi32, #tpu.memory_space<vmem>>
    %dma_start3A_193 = tpu.memref_squeeze %dma_start3A_192 : memref<1x128xi32, #tpu.memory_space<vmem>> -> memref<128xi32, #tpu.memory_space<vmem>>
    %dma_start3A_194 = arith.constant 0 : i32
    %dma_start3A_195 = tpu.memref_slice %arg8[%dma_start3A_194] : memref<458752xf32, #tpu.memory_space<vmem_shared>> -> memref<458752xf32, #tpu.memory_space<vmem_shared>>
    tpu.enqueue_indirect_dma source(%arg6 : memref<128xf32, #tpu.memory_space<vmem>>) target(%dma_start3A_195 : memref<458752xf32, #tpu.memory_space<vmem_shared>>) offsets(%dma_start3A_193 : memref<128xi32, #tpu.memory_space<vmem>>) semaphore(%arg9 : memref<!tpu.dma_semaphore, #tpu.memory_space<semaphore_mem>>) {add = true}
    %dma_wait3A_196 = arith.constant 0 : i32
    %dma_wait3A_197 = arith.constant 0 : i32
    %dma_wait3A_198 = tpu.memref_slice %arg5[%dma_wait3A_196, %dma_wait3A_197] : memref<14x128xi32, #tpu.memory_space<vmem>> -> memref<1x128xi32, #tpu.memory_space<vmem>>
    %dma_wait3A_199 = tpu.memref_squeeze %dma_wait3A_198 : memref<1x128xi32, #tpu.memory_space<vmem>> -> memref<128xi32, #tpu.memory_space<vmem>>
    %dma_wait3A_200 = arith.constant 0 : i32
    %dma_wait3A_201 = tpu.memref_slice %arg8[%dma_wait3A_200] : memref<458752xf32, #tpu.memory_space<vmem_shared>> -> memref<458752xf32, #tpu.memory_space<vmem_shared>>
    tpu.wait_indirect_dma semaphore(%arg9 : memref<!tpu.dma_semaphore, #tpu.memory_space<semaphore_mem>>) src(%arg6 : memref<128xf32, #tpu.memory_space<vmem>>) dst(%dma_wait3A_201 : memref<458752xf32, #tpu.memory_space<vmem_shared>>)
    %dma_wait3A_202 = arith.constant 1 : i32
    %dma_wait3A_203 = arith.constant 0 : i32
    %dma_wait3A_204 = tpu.memref_slice %arg5[%dma_wait3A_202, %dma_wait3A_203] : memref<14x128xi32, #tpu.memory_space<vmem>> -> memref<1x128xi32, #tpu.memory_space<vmem>>
    %dma_wait3A_205 = tpu.memref_squeeze %dma_wait3A_204 : memref<1x128xi32, #tpu.memory_space<vmem>> -> memref<128xi32, #tpu.memory_space<vmem>>
    %dma_wait3A_206 = arith.constant 0 : i32
    %dma_wait3A_207 = tpu.memref_slice %arg8[%dma_wait3A_206] : memref<458752xf32, #tpu.memory_space<vmem_shared>> -> memref<458752xf32, #tpu.memory_space<vmem_shared>>
    tpu.wait_indirect_dma semaphore(%arg9 : memref<!tpu.dma_semaphore, #tpu.memory_space<semaphore_mem>>) src(%arg6 : memref<128xf32, #tpu.memory_space<vmem>>) dst(%dma_wait3A_207 : memref<458752xf32, #tpu.memory_space<vmem_shared>>)
    %dma_wait3A_208 = arith.constant 2 : i32
    %dma_wait3A_209 = arith.constant 0 : i32
    %dma_wait3A_210 = tpu.memref_slice %arg5[%dma_wait3A_208, %dma_wait3A_209] : memref<14x128xi32, #tpu.memory_space<vmem>> -> memref<1x128xi32, #tpu.memory_space<vmem>>
    %dma_wait3A_211 = tpu.memref_squeeze %dma_wait3A_210 : memref<1x128xi32, #tpu.memory_space<vmem>> -> memref<128xi32, #tpu.memory_space<vmem>>
    %dma_wait3A_212 = arith.constant 0 : i32
    %dma_wait3A_213 = tpu.memref_slice %arg8[%dma_wait3A_212] : memref<458752xf32, #tpu.memory_space<vmem_shared>> -> memref<458752xf32, #tpu.memory_space<vmem_shared>>
    tpu.wait_indirect_dma semaphore(%arg9 : memref<!tpu.dma_semaphore, #tpu.memory_space<semaphore_mem>>) src(%arg6 : memref<128xf32, #tpu.memory_space<vmem>>) dst(%dma_wait3A_213 : memref<458752xf32, #tpu.memory_space<vmem_shared>>)
    %dma_wait3A_214 = arith.constant 3 : i32
    %dma_wait3A_215 = arith.constant 0 : i32
    %dma_wait3A_216 = tpu.memref_slice %arg5[%dma_wait3A_214, %dma_wait3A_215] : memref<14x128xi32, #tpu.memory_space<vmem>> -> memref<1x128xi32, #tpu.memory_space<vmem>>
    %dma_wait3A_217 = tpu.memref_squeeze %dma_wait3A_216 : memref<1x128xi32, #tpu.memory_space<vmem>> -> memref<128xi32, #tpu.memory_space<vmem>>
    %dma_wait3A_218 = arith.constant 0 : i32
    %dma_wait3A_219 = tpu.memref_slice %arg8[%dma_wait3A_218] : memref<458752xf32, #tpu.memory_space<vmem_shared>> -> memref<458752xf32, #tpu.memory_space<vmem_shared>>
    tpu.wait_indirect_dma semaphore(%arg9 : memref<!tpu.dma_semaphore, #tpu.memory_space<semaphore_mem>>) src(%arg6 : memref<128xf32, #tpu.memory_space<vmem>>) dst(%dma_wait3A_219 : memref<458752xf32, #tpu.memory_space<vmem_shared>>)
    %dma_wait3A_220 = arith.constant 4 : i32
    %dma_wait3A_221 = arith.constant 0 : i32
    %dma_wait3A_222 = tpu.memref_slice %arg5[%dma_wait3A_220, %dma_wait3A_221] : memref<14x128xi32, #tpu.memory_space<vmem>> -> memref<1x128xi32, #tpu.memory_space<vmem>>
    %dma_wait3A_223 = tpu.memref_squeeze %dma_wait3A_222 : memref<1x128xi32, #tpu.memory_space<vmem>> -> memref<128xi32, #tpu.memory_space<vmem>>
    %dma_wait3A_224 = arith.constant 0 : i32
    %dma_wait3A_225 = tpu.memref_slice %arg8[%dma_wait3A_224] : memref<458752xf32, #tpu.memory_space<vmem_shared>> -> memref<458752xf32, #tpu.memory_space<vmem_shared>>
    tpu.wait_indirect_dma semaphore(%arg9 : memref<!tpu.dma_semaphore, #tpu.memory_space<semaphore_mem>>) src(%arg6 : memref<128xf32, #tpu.memory_space<vmem>>) dst(%dma_wait3A_225 : memref<458752xf32, #tpu.memory_space<vmem_shared>>)
    %dma_wait3A_226 = arith.constant 5 : i32
    %dma_wait3A_227 = arith.constant 0 : i32
    %dma_wait3A_228 = tpu.memref_slice %arg5[%dma_wait3A_226, %dma_wait3A_227] : memref<14x128xi32, #tpu.memory_space<vmem>> -> memref<1x128xi32, #tpu.memory_space<vmem>>
    %dma_wait3A_229 = tpu.memref_squeeze %dma_wait3A_228 : memref<1x128xi32, #tpu.memory_space<vmem>> -> memref<128xi32, #tpu.memory_space<vmem>>
    %dma_wait3A_230 = arith.constant 0 : i32
    %dma_wait3A_231 = tpu.memref_slice %arg8[%dma_wait3A_230] : memref<458752xf32, #tpu.memory_space<vmem_shared>> -> memref<458752xf32, #tpu.memory_space<vmem_shared>>
    tpu.wait_indirect_dma semaphore(%arg9 : memref<!tpu.dma_semaphore, #tpu.memory_space<semaphore_mem>>) src(%arg6 : memref<128xf32, #tpu.memory_space<vmem>>) dst(%dma_wait3A_231 : memref<458752xf32, #tpu.memory_space<vmem_shared>>)
    %dma_wait3A_232 = arith.constant 6 : i32
    %dma_wait3A_233 = arith.constant 0 : i32
    %dma_wait3A_234 = tpu.memref_slice %arg5[%dma_wait3A_232, %dma_wait3A_233] : memref<14x128xi32, #tpu.memory_space<vmem>> -> memref<1x128xi32, #tpu.memory_space<vmem>>
    %dma_wait3A_235 = tpu.memref_squeeze %dma_wait3A_234 : memref<1x128xi32, #tpu.memory_space<vmem>> -> memref<128xi32, #tpu.memory_space<vmem>>
    %dma_wait3A_236 = arith.constant 0 : i32
    %dma_wait3A_237 = tpu.memref_slice %arg8[%dma_wait3A_236] : memref<458752xf32, #tpu.memory_space<vmem_shared>> -> memref<458752xf32, #tpu.memory_space<vmem_shared>>
    tpu.wait_indirect_dma semaphore(%arg9 : memref<!tpu.dma_semaphore, #tpu.memory_space<semaphore_mem>>) src(%arg6 : memref<128xf32, #tpu.memory_space<vmem>>) dst(%dma_wait3A_237 : memref<458752xf32, #tpu.memory_space<vmem_shared>>)
    %dma_wait3A_238 = arith.constant 7 : i32
    %dma_wait3A_239 = arith.constant 0 : i32
    %dma_wait3A_240 = tpu.memref_slice %arg5[%dma_wait3A_238, %dma_wait3A_239] : memref<14x128xi32, #tpu.memory_space<vmem>> -> memref<1x128xi32, #tpu.memory_space<vmem>>
    %dma_wait3A_241 = tpu.memref_squeeze %dma_wait3A_240 : memref<1x128xi32, #tpu.memory_space<vmem>> -> memref<128xi32, #tpu.memory_space<vmem>>
    %dma_wait3A_242 = arith.constant 0 : i32
    %dma_wait3A_243 = tpu.memref_slice %arg8[%dma_wait3A_242] : memref<458752xf32, #tpu.memory_space<vmem_shared>> -> memref<458752xf32, #tpu.memory_space<vmem_shared>>
    tpu.wait_indirect_dma semaphore(%arg9 : memref<!tpu.dma_semaphore, #tpu.memory_space<semaphore_mem>>) src(%arg6 : memref<128xf32, #tpu.memory_space<vmem>>) dst(%dma_wait3A_243 : memref<458752xf32, #tpu.memory_space<vmem_shared>>)
    %dma_wait3A_244 = arith.constant 8 : i32
    %dma_wait3A_245 = arith.constant 0 : i32
    %dma_wait3A_246 = tpu.memref_slice %arg5[%dma_wait3A_244, %dma_wait3A_245] : memref<14x128xi32, #tpu.memory_space<vmem>> -> memref<1x128xi32, #tpu.memory_space<vmem>>
    %dma_wait3A_247 = tpu.memref_squeeze %dma_wait3A_246 : memref<1x128xi32, #tpu.memory_space<vmem>> -> memref<128xi32, #tpu.memory_space<vmem>>
    %dma_wait3A_248 = arith.constant 0 : i32
    %dma_wait3A_249 = tpu.memref_slice %arg8[%dma_wait3A_248] : memref<458752xf32, #tpu.memory_space<vmem_shared>> -> memref<458752xf32, #tpu.memory_space<vmem_shared>>
    tpu.wait_indirect_dma semaphore(%arg9 : memref<!tpu.dma_semaphore, #tpu.memory_space<semaphore_mem>>) src(%arg6 : memref<128xf32, #tpu.memory_space<vmem>>) dst(%dma_wait3A_249 : memref<458752xf32, #tpu.memory_space<vmem_shared>>)
    %dma_wait3A_250 = arith.constant 9 : i32
    %dma_wait3A_251 = arith.constant 0 : i32
    %dma_wait3A_252 = tpu.memref_slice %arg5[%dma_wait3A_250, %dma_wait3A_251] : memref<14x128xi32, #tpu.memory_space<vmem>> -> memref<1x128xi32, #tpu.memory_space<vmem>>
    %dma_wait3A_253 = tpu.memref_squeeze %dma_wait3A_252 : memref<1x128xi32, #tpu.memory_space<vmem>> -> memref<128xi32, #tpu.memory_space<vmem>>
    %dma_wait3A_254 = arith.constant 0 : i32
    %dma_wait3A_255 = tpu.memref_slice %arg8[%dma_wait3A_254] : memref<458752xf32, #tpu.memory_space<vmem_shared>> -> memref<458752xf32, #tpu.memory_space<vmem_shared>>
    tpu.wait_indirect_dma semaphore(%arg9 : memref<!tpu.dma_semaphore, #tpu.memory_space<semaphore_mem>>) src(%arg6 : memref<128xf32, #tpu.memory_space<vmem>>) dst(%dma_wait3A_255 : memref<458752xf32, #tpu.memory_space<vmem_shared>>)
    %dma_wait3A_256 = arith.constant 10 : i32
    %dma_wait3A_257 = arith.constant 0 : i32
    %dma_wait3A_258 = tpu.memref_slice %arg5[%dma_wait3A_256, %dma_wait3A_257] : memref<14x128xi32, #tpu.memory_space<vmem>> -> memref<1x128xi32, #tpu.memory_space<vmem>>
    %dma_wait3A_259 = tpu.memref_squeeze %dma_wait3A_258 : memref<1x128xi32, #tpu.memory_space<vmem>> -> memref<128xi32, #tpu.memory_space<vmem>>
    %dma_wait3A_260 = arith.constant 0 : i32
    %dma_wait3A_261 = tpu.memref_slice %arg8[%dma_wait3A_260] : memref<458752xf32, #tpu.memory_space<vmem_shared>> -> memref<458752xf32, #tpu.memory_space<vmem_shared>>
    tpu.wait_indirect_dma semaphore(%arg9 : memref<!tpu.dma_semaphore, #tpu.memory_space<semaphore_mem>>) src(%arg6 : memref<128xf32, #tpu.memory_space<vmem>>) dst(%dma_wait3A_261 : memref<458752xf32, #tpu.memory_space<vmem_shared>>)
    %dma_wait3A_262 = arith.constant 11 : i32
    %dma_wait3A_263 = arith.constant 0 : i32
    %dma_wait3A_264 = tpu.memref_slice %arg5[%dma_wait3A_262, %dma_wait3A_263] : memref<14x128xi32, #tpu.memory_space<vmem>> -> memref<1x128xi32, #tpu.memory_space<vmem>>
    %dma_wait3A_265 = tpu.memref_squeeze %dma_wait3A_264 : memref<1x128xi32, #tpu.memory_space<vmem>> -> memref<128xi32, #tpu.memory_space<vmem>>
    %dma_wait3A_266 = arith.constant 0 : i32
    %dma_wait3A_267 = tpu.memref_slice %arg8[%dma_wait3A_266] : memref<458752xf32, #tpu.memory_space<vmem_shared>> -> memref<458752xf32, #tpu.memory_space<vmem_shared>>
    tpu.wait_indirect_dma semaphore(%arg9 : memref<!tpu.dma_semaphore, #tpu.memory_space<semaphore_mem>>) src(%arg6 : memref<128xf32, #tpu.memory_space<vmem>>) dst(%dma_wait3A_267 : memref<458752xf32, #tpu.memory_space<vmem_shared>>)
    %dma_wait3A_268 = arith.constant 12 : i32
    %dma_wait3A_269 = arith.constant 0 : i32
    %dma_wait3A_270 = tpu.memref_slice %arg5[%dma_wait3A_268, %dma_wait3A_269] : memref<14x128xi32, #tpu.memory_space<vmem>> -> memref<1x128xi32, #tpu.memory_space<vmem>>
    %dma_wait3A_271 = tpu.memref_squeeze %dma_wait3A_270 : memref<1x128xi32, #tpu.memory_space<vmem>> -> memref<128xi32, #tpu.memory_space<vmem>>
    %dma_wait3A_272 = arith.constant 0 : i32
    %dma_wait3A_273 = tpu.memref_slice %arg8[%dma_wait3A_272] : memref<458752xf32, #tpu.memory_space<vmem_shared>> -> memref<458752xf32, #tpu.memory_space<vmem_shared>>
    tpu.wait_indirect_dma semaphore(%arg9 : memref<!tpu.dma_semaphore, #tpu.memory_space<semaphore_mem>>) src(%arg6 : memref<128xf32, #tpu.memory_space<vmem>>) dst(%dma_wait3A_273 : memref<458752xf32, #tpu.memory_space<vmem_shared>>)
    %dma_wait3A_274 = arith.constant 13 : i32
    %dma_wait3A_275 = arith.constant 0 : i32
    %dma_wait3A_276 = tpu.memref_slice %arg5[%dma_wait3A_274, %dma_wait3A_275] : memref<14x128xi32, #tpu.memory_space<vmem>> -> memref<1x128xi32, #tpu.memory_space<vmem>>
    %dma_wait3A_277 = tpu.memref_squeeze %dma_wait3A_276 : memref<1x128xi32, #tpu.memory_space<vmem>> -> memref<128xi32, #tpu.memory_space<vmem>>
    %dma_wait3A_278 = arith.constant 0 : i32
    %dma_wait3A_279 = tpu.memref_slice %arg8[%dma_wait3A_278] : memref<458752xf32, #tpu.memory_space<vmem_shared>> -> memref<458752xf32, #tpu.memory_space<vmem_shared>>
    tpu.wait_indirect_dma semaphore(%arg9 : memref<!tpu.dma_semaphore, #tpu.memory_space<semaphore_mem>>) src(%arg6 : memref<128xf32, #tpu.memory_space<vmem>>) dst(%dma_wait3A_279 : memref<458752xf32, #tpu.memory_space<vmem_shared>>)
    %barrier3A_280 = arith.constant 0 : index
    tpu.barrier barrier_id(%barrier3A_280)
    %eq3A_281 = arith.constant 0 : i32
    %eq3A_282 = arith.cmpi eq, %arg0, %eq3A_281 : i32
    %convert_element_type3A_283 = arith.extui %eq3A_282 : i1 to i32
    %cond3A_284 = arith.constant 0 : i32
    %cond3A_285 = arith.cmpi ne, %convert_element_type3A_283, %cond3A_284 : i32
    scf.if %cond3A_285 {
      %mul3A_291 = arith.constant 28672 : i32
      %mul3A_292 = arith.muli %arg1, %mul3A_291 : i32
      %run_scoped3A = arith.constant 0 : i32
      "tpu.region"() ({
        %run_scoped3A_293 = tpu.sem_alloc : memref<!tpu.dma_semaphore, #tpu.memory_space<semaphore_mem>>
        %dma_start3A_294 = arith.constant 0 : i32
        %dma_start3A_295 = tpu.memref_slice %arg3[%run_scoped3A, %arg1, %dma_start3A_294] : memref<2x16x28672xf32, #tpu.memory_space<hbm>> -> memref<1x1x28672xf32, #tpu.memory_space<hbm>>
        %dma_start3A_296 = tpu.memref_squeeze %dma_start3A_295 : memref<1x1x28672xf32, #tpu.memory_space<hbm>> -> memref<28672xf32, #tpu.memory_space<hbm>>
        %dma_start3A_297 = tpu.memref_slice %arg8[%mul3A_292] : memref<458752xf32, #tpu.memory_space<vmem_shared>> -> memref<28672xf32, #tpu.memory_space<vmem_shared>>
        tpu.enqueue_dma source(%dma_start3A_297 : memref<28672xf32, #tpu.memory_space<vmem_shared>>) target(%dma_start3A_296 : memref<28672xf32, #tpu.memory_space<hbm>>) target_semaphore(%run_scoped3A_293 : memref<!tpu.dma_semaphore, #tpu.memory_space<semaphore_mem>>)
        %dma_wait3A_298 = arith.constant 0 : i32
        %dma_wait3A_299 = tpu.memref_slice %arg3[%run_scoped3A, %arg1, %dma_wait3A_298] : memref<2x16x28672xf32, #tpu.memory_space<hbm>> -> memref<1x1x28672xf32, #tpu.memory_space<hbm>>
        %dma_wait3A_300 = tpu.memref_squeeze %dma_wait3A_299 : memref<1x1x28672xf32, #tpu.memory_space<hbm>> -> memref<28672xf32, #tpu.memory_space<hbm>>
        %dma_wait3A_301 = tpu.memref_slice %arg8[%mul3A_292] : memref<458752xf32, #tpu.memory_space<vmem_shared>> -> memref<28672xf32, #tpu.memory_space<vmem_shared>>
        tpu.wait_dma2 semaphore(%run_scoped3A_293 : memref<!tpu.dma_semaphore, #tpu.memory_space<semaphore_mem>>) src(%dma_wait3A_301 : memref<28672xf32, #tpu.memory_space<vmem_shared>>) dst(%dma_wait3A_300 : memref<28672xf32, #tpu.memory_space<hbm>>)
        tpu.yield
      }) : () -> ()
    } else {
    }
    %eq3A_286 = arith.constant 1 : i32
    %eq3A_287 = arith.cmpi eq, %arg0, %eq3A_286 : i32
    %convert_element_type3A_288 = arith.extui %eq3A_287 : i1 to i32
    %cond3A_289 = arith.constant 0 : i32
    %cond3A_290 = arith.cmpi ne, %convert_element_type3A_288, %cond3A_289 : i32
    scf.if %cond3A_290 {
      %mul3A_291 = arith.constant 21504 : i32
      %mul3A_292 = arith.muli %arg1, %mul3A_291 : i32
      %run_scoped3A = arith.constant 1 : i32
      "tpu.region"() ({
        %run_scoped3A_293 = tpu.sem_alloc : memref<!tpu.dma_semaphore, #tpu.memory_space<semaphore_mem>>
        %dma_start3A_294 = arith.constant 0 : i32
        %dma_start3A_295 = tpu.memref_slice %arg3[%run_scoped3A, %arg1, %dma_start3A_294] : memref<2x16x28672xf32, #tpu.memory_space<hbm>> -> memref<1x1x21504xf32, #tpu.memory_space<hbm>>
        %dma_start3A_296 = tpu.memref_squeeze %dma_start3A_295 : memref<1x1x21504xf32, #tpu.memory_space<hbm>> -> memref<21504xf32, #tpu.memory_space<hbm>>
        %dma_start3A_297 = tpu.memref_slice %arg8[%mul3A_292] : memref<458752xf32, #tpu.memory_space<vmem_shared>> -> memref<21504xf32, #tpu.memory_space<vmem_shared>>
        tpu.enqueue_dma source(%dma_start3A_297 : memref<21504xf32, #tpu.memory_space<vmem_shared>>) target(%dma_start3A_296 : memref<21504xf32, #tpu.memory_space<hbm>>) target_semaphore(%run_scoped3A_293 : memref<!tpu.dma_semaphore, #tpu.memory_space<semaphore_mem>>)
        %dma_wait3A_298 = arith.constant 0 : i32
        %dma_wait3A_299 = tpu.memref_slice %arg3[%run_scoped3A, %arg1, %dma_wait3A_298] : memref<2x16x28672xf32, #tpu.memory_space<hbm>> -> memref<1x1x21504xf32, #tpu.memory_space<hbm>>
        %dma_wait3A_300 = tpu.memref_squeeze %dma_wait3A_299 : memref<1x1x21504xf32, #tpu.memory_space<hbm>> -> memref<21504xf32, #tpu.memory_space<hbm>>
        %dma_wait3A_301 = tpu.memref_slice %arg8[%mul3A_292] : memref<458752xf32, #tpu.memory_space<vmem_shared>> -> memref<21504xf32, #tpu.memory_space<vmem_shared>>
        tpu.wait_dma2 semaphore(%run_scoped3A_293 : memref<!tpu.dma_semaphore, #tpu.memory_space<semaphore_mem>>) src(%dma_wait3A_301 : memref<21504xf32, #tpu.memory_space<vmem_shared>>) dst(%dma_wait3A_300 : memref<21504xf32, #tpu.memory_space<hbm>>)
        tpu.yield
      }) : () -> ()
    } else {
    }
    return
  }
}

module attributes {stable_mosaic.version = 14 : i64} {
  func.func @_fc_body(%arg0: memref<878x495xf32, #tpu.memory_space<vmem>>, %arg1: memref<256x495xf32, #tpu.memory_space<vmem>>, %arg2: memref<256xf32, #tpu.memory_space<vmem>>, %arg3: memref<256x383xf32, #tpu.memory_space<vmem>>, %arg4: memref<256xf32, #tpu.memory_space<vmem>>, %arg5: memref<896x256xf32, #tpu.memory_space<vmem>>) attributes {dimension_semantics = [], scalar_prefetch = 0 : i64, scratch_operands = 0 : i64, tpu.core_type = #tpu.core_type<tc>} {
    %get3A = arith.constant 0 : index
    %get3A_0 = arith.constant 0 : index
    %get3A_1 = vector.load %arg0[%get3A, %get3A_0] : memref<878x495xf32, #tpu.memory_space<vmem>>, vector<878x495xf32>
    %get3A_2 = arith.constant 0 : index
    %get3A_3 = arith.constant 0 : index
    %get3A_4 = vector.load %arg1[%get3A_2, %get3A_3] : memref<256x495xf32, #tpu.memory_space<vmem>>, vector<256x495xf32>
    %dot_general3A = arith.constant dense<0.000000e+00> : vector<878x256xf32>
    %dot_general3A_5 = tpu.matmul %get3A_1, %get3A_4, %dot_general3A {dimension_numbers = #tpu.dot_dimension_numbers<[1], [1], [0], [0], [0, 0, 1, 0], [], []>, transpose_lhs_hint = false} : vector<878x495xf32>, vector<256x495xf32>, vector<878x256xf32> -> vector<878x256xf32>
    %get3A_6 = arith.constant 0 : index
    %get3A_7 = vector.load %arg2[%get3A_6] : memref<256xf32, #tpu.memory_space<vmem>>, vector<256xf32>
    %reshape3A = vector.shape_cast %get3A_7 : vector<256xf32> to vector<1x256xf32>
    %add3A = vector.broadcast %reshape3A : vector<1x256xf32> to vector<878x256xf32>
    %add3A_8 = arith.addf %dot_general3A_5, %add3A : vector<878x256xf32>
    %slice3A = vector.extract_strided_slice %get3A_1 {offsets = [0, 0], sizes = [878, 383], strides = [1, 1]} : vector<878x495xf32> to vector<878x383xf32>
    %get3A_9 = arith.constant 0 : index
    %get3A_10 = arith.constant 0 : index
    %get3A_11 = vector.load %arg3[%get3A_9, %get3A_10] : memref<256x383xf32, #tpu.memory_space<vmem>>, vector<256x383xf32>
    %dot_general3A_12 = arith.constant dense<0.000000e+00> : vector<878x256xf32>
    %dot_general3A_13 = tpu.matmul %slice3A, %get3A_11, %dot_general3A_12 {dimension_numbers = #tpu.dot_dimension_numbers<[1], [1], [0], [0], [0, 0, 1, 0], [], []>, transpose_lhs_hint = false} : vector<878x383xf32>, vector<256x383xf32>, vector<878x256xf32> -> vector<878x256xf32>
    %get3A_14 = arith.constant 0 : index
    %get3A_15 = vector.load %arg4[%get3A_14] : memref<256xf32, #tpu.memory_space<vmem>>, vector<256xf32>
    %reshape3A_16 = vector.shape_cast %get3A_15 : vector<256xf32> to vector<1x256xf32>
    %add3A_17 = vector.broadcast %reshape3A_16 : vector<1x256xf32> to vector<878x256xf32>
    %add3A_18 = arith.addf %dot_general3A_13, %add3A_17 : vector<878x256xf32>
    %iota3A = tpu.iota {dimensions = array<i32: 0>} : vector<878x256xi32>
    %lt3A = arith.constant 495 : i32
    %lt3A_19 = vector.broadcast %lt3A : i32 to vector<878x256xi32>
    %lt3A_20 = arith.cmpi slt, %iota3A, %lt3A_19 : vector<878x256xi32>
    %select_n3A = arith.select %lt3A_20, %add3A_8, %add3A_18 : vector<878x256xi1>, vector<878x256xf32>
    %broadcast_in_dim3A = arith.constant 0.000000e+00 : f32
    %broadcast_in_dim3A_21 = vector.broadcast %broadcast_in_dim3A : f32 to vector<18x256xf32>
    %concatenate3A = tpu.concatenate %select_n3A, %broadcast_in_dim3A_21 in 0 : vector<878x256xf32>, vector<18x256xf32> -> vector<896x256xf32>
    %swap3A = arith.constant 0 : index
    %swap3A_22 = arith.constant 0 : index
    %swap3A_23 = vector.load %arg5[%swap3A, %swap3A_22] : memref<896x256xf32, #tpu.memory_space<vmem>>, vector<896x256xf32>
    tpu.vector_store %arg5[%swap3A, %swap3A_22], %concatenate3A {strides = array<i32>} : memref<896x256xf32, #tpu.memory_space<vmem>>, vector<896x256xf32>,
    return
  }
}

module attributes {stable_mosaic.version = 14 : i64} {
  func.func @_tc_body(%arg0: memref<2x16x28672xf32, #tpu.memory_space<vmem>>, %arg1: memref<896x256xf32, #tpu.memory_space<vmem>>, %arg2: memref<256x256xf32, #tpu.memory_space<vmem>>, %arg3: memref<256x256xf32, #tpu.memory_space<vmem>>, %arg4: memref<256xf32, #tpu.memory_space<vmem>>, %arg5: memref<256x256xf32, #tpu.memory_space<vmem>>, %arg6: memref<256x256xf32, #tpu.memory_space<vmem>>, %arg7: memref<256xf32, #tpu.memory_space<vmem>>, %arg8: memref<878x256xf32, #tpu.memory_space<vmem>>) attributes {dimension_semantics = [], scalar_prefetch = 0 : i64, scratch_operands = 0 : i64, tpu.core_type = #tpu.core_type<tc>} {
    %get3A = arith.constant 0 : index
    %get3A_0 = arith.constant 0 : index
    %get3A_1 = vector.load %arg1[%get3A, %get3A_0] : memref<896x256xf32, #tpu.memory_space<vmem>>, vector<896x256xf32>
    %get3A_2 = arith.constant 0 : index
    %get3A_3 = arith.constant 0 : index
    %get3A_4 = arith.constant 0 : index
    %get3A_5 = vector.load %arg0[%get3A_2, %get3A_3, %get3A_4] : memref<2x16x28672xf32, #tpu.memory_space<vmem>>, vector<1x16x28672xf32>
    %get3A_6 = vector.shape_cast %get3A_5 : vector<1x16x28672xf32> to vector<16x28672xf32>
    %reshape3A = vector.shape_cast %get3A_6 : vector<16x28672xf32> to vector<896x512xf32>
    %get3A_7 = arith.constant 1 : index
    %get3A_8 = arith.constant 0 : index
    %get3A_9 = arith.constant 0 : index
    %get3A_10 = vector.load %arg0[%get3A_7, %get3A_8, %get3A_9] : memref<2x16x28672xf32, #tpu.memory_space<vmem>>, vector<1x16x28672xf32>
    %get3A_11 = vector.shape_cast %get3A_10 : vector<1x16x28672xf32> to vector<16x28672xf32>
    %slice3A = vector.extract_strided_slice %get3A_11 {offsets = [0, 0], sizes = [16, 21504], strides = [1, 1]} : vector<16x28672xf32> to vector<16x21504xf32>
    %reshape3A_12 = vector.shape_cast %slice3A : vector<16x21504xf32> to vector<896x384xf32>
    %concatenate3A = tpu.concatenate %reshape3A, %reshape3A_12 in 1 : vector<896x512xf32>, vector<896x384xf32> -> vector<896x896xf32>
    %reduce_sum3A = arith.constant dense<0.000000e+00> : vector<896xf32>
    %reduce_sum3A_13 = vector.multi_reduction <add>, %concatenate3A, %reduce_sum3A [1] : vector<896x896xf32> to vector<896xf32>
    %broadcast_in_dim3A = vector.shape_cast %reduce_sum3A_13 : vector<896xf32> to vector<896x1xf32>
    %max3A = arith.constant 1.000000e+00 : f32
    %max3A_14 = vector.broadcast %max3A : f32 to vector<896x1xf32>
    %max3A_15 = arith.maximumf %broadcast_in_dim3A, %max3A_14 : vector<896x1xf32>
    %div3A = arith.constant 1.000000e+00 : f32
    %div3A_16 = vector.broadcast %div3A : f32 to vector<896x1xf32>
    %div3A_17 = arith.divf %div3A_16, %max3A_15 : vector<896x1xf32>
    %dot_general3A = arith.constant dense<0.000000e+00> : vector<896x256xf32>
    %dot_general3A_18 = tpu.matmul %concatenate3A, %get3A_1, %dot_general3A {dimension_numbers = #tpu.dot_dimension_numbers<[1], [0], [0], [1], [0, 0, 1, 1], [], []>, transpose_lhs_hint = false} : vector<896x896xf32>, vector<896x256xf32>, vector<896x256xf32> -> vector<896x256xf32>
    %mul3A = vector.broadcast %div3A_17 : vector<896x1xf32> to vector<896x256xf32>
    %mul3A_19 = arith.mulf %dot_general3A_18, %mul3A : vector<896x256xf32>
    %get3A_20 = arith.constant 0 : index
    %get3A_21 = arith.constant 0 : index
    %get3A_22 = vector.load %arg2[%get3A_20, %get3A_21] : memref<256x256xf32, #tpu.memory_space<vmem>>, vector<256x256xf32>
    %dot_general3A_23 = arith.constant dense<0.000000e+00> : vector<896x256xf32>
    %dot_general3A_24 = tpu.matmul %get3A_1, %get3A_22, %dot_general3A_23 {dimension_numbers = #tpu.dot_dimension_numbers<[1], [1], [0], [0], [0, 0, 1, 0], [], []>, transpose_lhs_hint = false} : vector<896x256xf32>, vector<256x256xf32>, vector<896x256xf32> -> vector<896x256xf32>
    %get3A_25 = arith.constant 0 : index
    %get3A_26 = arith.constant 0 : index
    %get3A_27 = vector.load %arg3[%get3A_25, %get3A_26] : memref<256x256xf32, #tpu.memory_space<vmem>>, vector<256x256xf32>
    %dot_general3A_28 = arith.constant dense<0.000000e+00> : vector<896x256xf32>
    %dot_general3A_29 = tpu.matmul %mul3A_19, %get3A_27, %dot_general3A_28 {dimension_numbers = #tpu.dot_dimension_numbers<[1], [1], [0], [0], [0, 0, 1, 0], [], []>, transpose_lhs_hint = false} : vector<896x256xf32>, vector<256x256xf32>, vector<896x256xf32> -> vector<896x256xf32>
    %add3A = arith.addf %dot_general3A_24, %dot_general3A_29 : vector<896x256xf32>
    %get3A_30 = arith.constant 0 : index
    %get3A_31 = vector.load %arg4[%get3A_30] : memref<256xf32, #tpu.memory_space<vmem>>, vector<256xf32>
    %reshape3A_32 = vector.shape_cast %get3A_31 : vector<256xf32> to vector<1x256xf32>
    %add3A_33 = vector.broadcast %reshape3A_32 : vector<1x256xf32> to vector<896x256xf32>
    %add3A_34 = arith.addf %add3A, %add3A_33 : vector<896x256xf32>
    %max3A_35 = arith.constant 0.000000e+00 : f32
    %max3A_36 = vector.broadcast %max3A_35 : f32 to vector<896x256xf32>
    %max3A_37 = arith.maximumf %add3A_34, %max3A_36 : vector<896x256xf32>
    %dot_general3A_38 = arith.constant dense<0.000000e+00> : vector<896x256xf32>
    %dot_general3A_39 = tpu.matmul %concatenate3A, %max3A_37, %dot_general3A_38 {dimension_numbers = #tpu.dot_dimension_numbers<[1], [0], [0], [1], [0, 0, 1, 1], [], []>, transpose_lhs_hint = false} : vector<896x896xf32>, vector<896x256xf32>, vector<896x256xf32> -> vector<896x256xf32>
    %mul3A_40 = vector.broadcast %div3A_17 : vector<896x1xf32> to vector<896x256xf32>
    %mul3A_41 = arith.mulf %dot_general3A_39, %mul3A_40 : vector<896x256xf32>
    %get3A_42 = arith.constant 0 : index
    %get3A_43 = arith.constant 0 : index
    %get3A_44 = vector.load %arg5[%get3A_42, %get3A_43] : memref<256x256xf32, #tpu.memory_space<vmem>>, vector<256x256xf32>
    %dot_general3A_45 = arith.constant dense<0.000000e+00> : vector<896x256xf32>
    %dot_general3A_46 = tpu.matmul %max3A_37, %get3A_44, %dot_general3A_45 {dimension_numbers = #tpu.dot_dimension_numbers<[1], [1], [0], [0], [0, 0, 1, 0], [], []>, transpose_lhs_hint = false} : vector<896x256xf32>, vector<256x256xf32>, vector<896x256xf32> -> vector<896x256xf32>
    %get3A_47 = arith.constant 0 : index
    %get3A_48 = arith.constant 0 : index
    %get3A_49 = vector.load %arg6[%get3A_47, %get3A_48] : memref<256x256xf32, #tpu.memory_space<vmem>>, vector<256x256xf32>
    %dot_general3A_50 = arith.constant dense<0.000000e+00> : vector<896x256xf32>
    %dot_general3A_51 = tpu.matmul %mul3A_41, %get3A_49, %dot_general3A_50 {dimension_numbers = #tpu.dot_dimension_numbers<[1], [1], [0], [0], [0, 0, 1, 0], [], []>, transpose_lhs_hint = false} : vector<896x256xf32>, vector<256x256xf32>, vector<896x256xf32> -> vector<896x256xf32>
    %add3A_52 = arith.addf %dot_general3A_46, %dot_general3A_51 : vector<896x256xf32>
    %get3A_53 = arith.constant 0 : index
    %get3A_54 = vector.load %arg7[%get3A_53] : memref<256xf32, #tpu.memory_space<vmem>>, vector<256xf32>
    %reshape3A_55 = vector.shape_cast %get3A_54 : vector<256xf32> to vector<1x256xf32>
    %add3A_56 = vector.broadcast %reshape3A_55 : vector<1x256xf32> to vector<896x256xf32>
    %add3A_57 = arith.addf %add3A_52, %add3A_56 : vector<896x256xf32>
    %max3A_58 = arith.constant 0.000000e+00 : f32
    %max3A_59 = vector.broadcast %max3A_58 : f32 to vector<896x256xf32>
    %max3A_60 = arith.maximumf %add3A_57, %max3A_59 : vector<896x256xf32>
    %slice3A_61 = vector.extract_strided_slice %max3A_60 {offsets = [0, 0], sizes = [878, 256], strides = [1, 1]} : vector<896x256xf32> to vector<878x256xf32>
    %swap3A = arith.constant 0 : index
    %swap3A_62 = arith.constant 0 : index
    %swap3A_63 = vector.load %arg8[%swap3A, %swap3A_62] : memref<878x256xf32, #tpu.memory_space<vmem>>, vector<878x256xf32>
    tpu.vector_store %arg8[%swap3A, %swap3A_62], %slice3A_61 {strides = array<i32>} : memref<878x256xf32, #tpu.memory_space<vmem>>, vector<878x256xf32>,
    return
  }
}

</mosaic_0001>

<sc_bundles>
// kernel: kernel.5.cloned.1.call-start
scs
__scs_entry_jumppad:
0x0: {  	(pc) =	sbr.rel $0x88, $3  }
0x1: {  	(tag) =	ssettag $0x0;
	lr =	simm.s32 $0x1  }
0x2: {  	[smem:$0x3F95] =	sst lr;
	_ =	strace $0xD0000000  }
0x3: {  	_ = 	snop  }
0x4: {  	_ = 	snop  }
0x5: {  	_ = 	snop  }
0x6: {  	_ = 	snop  }
0x7: {  	_ = 	snop  }
__scs_overlays_trampoline_lowered:
0x8: {  	[smem:$0x3FA4] =	sst s0  }
0x9: {  	[smem:$0x3FA5] =	sst s1  }
0xa: {  	[smem:$0x3FA6] =	sst s2  }
0xb: {  	[smem:$0x3FA7] =	sst s3  }
0xc: {  	[smem:$0x3FA8] =	sst s4  }
0xd: {  	[smem:$0x3FA9] =	sst s5  }
0xe: {  	[smem:$0x3FAA] =	sst s6  }
0xf: {  	[smem:$0x3FAB] =	sst s7  }
0x10: {  	[smem:$0x3FAC] =	sst s8  }
0x11: {  	[smem:$0x3FAD] =	sst s9;
	s0 =	simm.s32 @!p0 $0x0  }
0x12: {  	s1 =	sld [smem:$0x3F93];
	s0 =	simm.s32 @p0 $0x1  }
0x13: {  	[smem:$0x3FAE] =	sst s0;
	s0 =	simm.s32 @!p1 $0x0  }
0x14: {  	s2 =	sld [smem:$0x3F92];
	s0 =	simm.s32 @p1 $0x1  }
0x15: {  	[smem:$0x3FAF] =	sst s0;
	s0 =	simm.s32 @!p2 $0x0  }
0x16: {  	s3 =	sld [smem:$0x3FDB];
	s0 =	simm.s32 @p2 $0x1  }
0x17: {  	s4 =	simm.s32 $0x1BF5;
	[smem:$0x3FB1] =	sst s0  }
0x18: {  	s0 =	sld [smem:$0x3F94];
	_ =	swait.ge [sflag:s4], $0x0  }
0x19: {  	s7 =	sld [smem:$0x3F95]  }
0x1a: {  	s8 =	sadd.s32 $0xFFFFE003, lr  }
0x1b: {  	s9 =	sadd.s32 $0xFFFFFEF7, lr;
	s5 =	simm.s32 $0xFFFFFFFF;
	p2 =	slt.u32 s8, $0xFFFFF086  }
0x1c: {  	p1 =	slt.u32 s9, $0xF7A;
	s5 =	simm.s32 @!p2 $0x0  }
0x1d: {  	s5 =	simm.s32 @p1 $0x1;
	p0 =	seq.s32 s7, s2  }
0x1e: {  	s7 =	smul.u32 @!p0 $0xF7A, s2;
	p2 =	seq.s32 @!p0 s5, $0x0  }
0x1f: {  	s9 =	smul.u32 $0xF7A, s1;
	s8 =	simm.s32 @!p0 $0x1BF5;
	p2 =	por !p2, p0  }
0x20: {  	[sflag:s8] =	ssyncset.s32 @!p0 $0xFFFFF086;
	s6 =	sadd.s32 @!p0 s3, s7;
	s7 =	simm.s32 @!p0 $0x108  }
0x21: {  	s3 =	sadd.s32 s3, s9;
	s6 =	sadd.s32 @!p0 $0x88, s6;
	s7 =	simm.s32 @p2 $0x1082  }
0x22: {  	[simem:s7], [sflag:s8] =	dma.local @!p0 [hbm:s6], $0xF7A  }
0x23: {  	s9 =	sor.u32 $0xD0000000, s2;
	s6 =	simm.s32 $0x108;
	_ =	swait.ge @!p0 [sflag:s8], $0x0  }
0x24: {  	s3 =	sadd.s32 $0x88, s3;
	s6 =	simm.s32 @!p1 $0x1082;
	[sflag:s4] =	ssyncset.s32 $0xFFFFF086  }
0x25: {  	[simem:s6], [sflag:s4] =	dma.local [hbm:s3], $0xF7A  }
0x26: {  	[smem:$0x3F95] =	sst s1;
	(tag) =	ssettag s2;
	_ =	strace s9  }
0x27: {  	s1 =	sld [smem:$0x3FA5]  }
0x28: {  	s2 =	sld [smem:$0x3FA6]  }
0x29: {  	s4 =	sld [smem:$0x3FA8]  }
0x2a: {  	p0 =	seq.s32 s5, $0x0;
	s5 =	sld [smem:$0x3FA9]  }
0x2b: {  	s6 =	sld [smem:$0x3FAA]  }
0x2c: {  	s7 =	sld [smem:$0x3FAB]  }
0x2d: {  	s3 =	simm.s32 $0x108;
	s8 =	sld [smem:$0x3FAC]  }
0x2e: {  	s3 =	simm.s32 @!p0 $0x1082;
	s9 =	sld [smem:$0x3FAD]  }
0x2f: {  	lr =	sadd.s32 s0, s3;
	s0 =	sld [smem:$0x3FA4]  }
0x30: {  	s3 =	sld [smem:$0x3FA7]  }
0x31: {  	[smem:$0x3FB0] =	sst s10  }
0x32: {  	s10 =	sld [smem:$0x3FAE];
	_ =	sdelay $0x3  }
0x33: {  	p0 =	seq.s32 s10, $0x1;
	s10 =	sld [smem:$0x3FB0];
	_ =	sdelay $0x3  }
0x34: {  	[smem:$0x3FB0] =	sst s10  }
0x35: {  	s10 =	sld [smem:$0x3FAF];
	_ =	sdelay $0x3  }
0x36: {  	p1 =	seq.s32 s10, $0x1;
	s10 =	sld [smem:$0x3FB0];
	_ =	sdelay $0x3  }
0x37: {  	[smem:$0x3FB0] =	sst s10  }
0x38: {  	s10 =	sld [smem:$0x3FB1]  }
0x39: {  	_ = 	snop;
	(pc) =	sbr.ind lr, $3  }
0x3a: {  	_ = 	snop  }
0x3b: {  	_ = 	snop  }
0x3c: {  	p2 =	seq.s32 s10, $0x1;
	s10 =	sld [smem:$0x3FB0]  }
0x3d: {  	_ =	shalt  }
0x3e: {  	_ =	shalt  }
0x3f: {  	_ =	shalt  }
0x40: {  	_ =	shalt  }
0x41: {  	_ =	shalt  }
0x42: {  	_ =	shalt  }
0x43: {  	_ =	shalt  }
0x44: {  	_ =	shalt  }
0x45: {  	_ =	shalt  }
0x46: {  	_ =	shalt  }
0x47: {  	_ =	shalt  }
0x48: {  	_ =	shalt  }
0x49: {  	_ =	shalt  }
0x4a: {  	_ =	shalt  }
0x4b: {  	_ =	shalt  }
0x4c: {  	_ =	shalt  }
0x4d: {  	_ =	shalt  }
0x4e: {  	_ =	shalt  }
0x4f: {  	_ =	shalt  }
0x50: {  	_ =	shalt  }
0x51: {  	_ =	shalt  }
0x52: {  	_ =	shalt  }
0x53: {  	_ =	shalt  }
0x54: {  	_ =	shalt  }
0x55: {  	_ =	shalt  }
0x56: {  	_ =	shalt  }
0x57: {  	_ =	shalt  }
0x58: {  	_ =	shalt  }
0x59: {  	_ =	shalt  }
0x5a: {  	_ =	shalt  }
0x5b: {  	_ =	shalt  }
0x5c: {  	_ =	shalt  }
0x5d: {  	_ =	shalt  }
0x5e: {  	_ =	shalt  }
0x5f: {  	_ =	shalt  }
0x60: {  	_ =	shalt  }
0x61: {  	_ =	shalt  }
0x62: {  	_ =	shalt  }
0x63: {  	_ =	shalt  }
0x64: {  	_ =	shalt  }
0x65: {  	_ =	shalt  }
0x66: {  	_ =	shalt  }
0x67: {  	_ =	shalt  }
0x68: {  	_ =	shalt  }
0x69: {  	_ =	shalt  }
0x6a: {  	_ =	shalt  }
0x6b: {  	_ =	shalt  }
0x6c: {  	_ =	shalt  }
0x6d: {  	_ =	shalt  }
0x6e: {  	_ =	shalt  }
0x6f: {  	_ =	shalt  }
0x70: {  	_ =	shalt  }
0x71: {  	_ =	shalt  }
0x72: {  	_ =	shalt  }
0x73: {  	_ =	shalt  }
0x74: {  	_ =	shalt  }
0x75: {  	_ =	shalt  }
0x76: {  	_ =	shalt  }
0x77: {  	_ =	shalt  }
0x78: {  	_ =	shalt  }
0x79: {  	_ =	shalt  }
0x7a: {  	_ =	shalt  }
0x7b: {  	_ =	shalt  }
0x7c: {  	_ =	shalt  }
0x7d: {  	_ =	shalt  }
0x7e: {  	_ =	shalt  }
0x7f: {  	_ =	shalt  }
0x80: {  	_ =	shalt  }
0x81: {  	_ =	shalt  }
0x82: {  	_ =	shalt  }
0x83: {  	_ =	shalt  }
0x84: {  	_ =	shalt  }
0x85: {  	_ =	shalt  }
0x86: {  	_ =	shalt  }
0x87: {  	_ =	shalt  }
.Lfunc_end0:
.L_simem_size_0:
called_computation_lowered:
.L_overlay_start_0:
0x88: {  	s2 =	sld [smem:$0x3FD9]  }
0x89: {  	s3 =	sld [smem:$0x3FFE];
	_ =	sdelay $0x1  }
0x8a: {  	s1 =	srdreg.scid  }
0x8b: {  	s0 =	sand.u32 $0x1, s1  }
0x8c: {  	s17 =	sshll.u32 s0, $0xA;
	s2 =	sadd.s32 s3, s2  }
0x8d: {  	s2 =	sadd.s32 s2, s17  }
0x8e: {  	[smem:$0x3FBC] =	sst s2  }
0x8f: {  	_ = 	snop  }
0x90: {  	s2 =	sld [smem:$0x3FD0];
	(tm) =	ssettm $0x1  }
0x91: {  	s18 =	sld [smem:$0x3FFB];
	_ =	sdelay $0x3  }
0x92: {  	_ =	strace s18  }
0x93: {  	s3 =	sld [smem:$0x3FFC];
	_ =	sdelay $0x3  }
0x94: {  	_ =	strace s3  }
0x95: {  	s3 =	sld [smem:$0x3FFD];
	_ =	sdelay $0x3  }
0x96: {  	_ =	strace s3  }
0x97: {  	_ =	strace $0x8FFFFFFF  }
0x98: {  	s19 =	sld [smem:$0x3FDB];
	_ =	sdelay $0x1  }
0x99: {  	s4 =	simm.s32 $_scs_section_size  }
0x9a: {  	s5 =	simm.s32 $_size__tile_overlayer_lowered;
	s6 =	simm.s32 $_tile_overlayer_lowered  }
0x9b: {  	s22 =	simm.s32 $0x1BFF;
	s21 =	sshll.u32 s6, $0x1;
	s3 =	sadd.s32 s4, s19  }
0x9c: {  	s7 =	simm.s32 $0x0;
	s20 =	sshll.u32 s5, $0x1;
	s5 =	sadd.s32 s21, s3  }
0x9d: {  	[timem:s7], [sflag:s22] =	dma.local [hbm:s5], s20  }
0x9e: {  	_ =	swait.ge [sflag:s22], s20  }
0x9f: {  	s4 =	ssub.s32 $0x0, s20;
	[sflag:s22] =	ssyncset.done $0x0  }
0xa0: {  	[sflag:s22] =	ssyncadd.s32 s4;
	_ =	sdelay $0x1  }
0xa1: {  	s23 =	simm.s32 $0x1B8B  }
0xa2: {  	_ =	swait.ge [sflag:s23], $0x1  }
0xa3: {  	[sflag:s23] =	ssyncset.done $0x0  }
0xa4: {  	s25 =	simm.s32 $0x1B8E;
	s24 =	sld [smem:$0x3FFE];
	[sflag:s23] =	ssyncadd.s32 $0xFFFFFFFF  }
0xa5: {  	s26 =	simm.s32 $execute0_lowered;
	[smem:$0x3FD2] =	sst s25  }
0xa6: {  	s5 =	sshll.u32 s26, $0x1;
	_ =	strace $0x80000046;
	[dreg:$0x1] =	wrdreg $0xFFFFFFFF  }
0xa7: {  	s28 =	simm.s32 $_size_execute0_lowered;
	s3 =	sadd.s32 s3, s5;
	[dreg:$0x0] =	wrdreg $0x0  }
0xa8: {  	s5 =	sshll.u32 s28, $0x1;
	[dreg:$0x2] =	wrdreg s3  }
0xa9: {  	[dreg:$0x3] =	wrdreg s5  }
0xaa: {  	[dreg:$0x4] =	wrdreg $0xC0  }
0xab: {  	_ =	task [dreg:s7], $0x5FFFF  }
0xac: {  	[dreg:$0x1] =	wrdreg $0xFFFFFFFF  }
0xad: {  	[dreg:$0x0] =	wrdreg $0x60  }
0xae: {  	[dreg:$0x2] =	wrdreg s2  }
0xaf: {  	[dreg:$0x3] =	wrdreg s24  }
0xb0: {  	[dreg:$0x4] =	wrdreg $0x32800  }
0xb1: {  	[dreg:$0x5] =	wrdreg $0x9  }
0xb2: {  	_ =	task.clear_ibuf [dreg:s7], $0x6FFFF;
	_ =	strace $0x90000046  }
0xb3: {  	s29 =	simm.s32 $0x9;
	_ =	strace $0x80000048  }
0xb4: {  	_ =	swait.ge [sflag:s29], $0x1  }
0xb5: {  	[sflag:s29] =	ssyncadd.s32 $0xFFFFFFFF  }
0xb6: {  	_ =	strace $0x90000048  }
0xb7: {  	_ =	sfence  }
0xb8: {  	s30 =	sld [smem:$0x0];
	_ =	sdelay $0x2  }
0xb9: {  	s31 =	sshll.u32 s1, $0xD;
	s1 =	sshrl.u32 s1, $0x2  }
0xba: {  	s3 =	sand.u32 $0x4000, s31;
	s1 =	sadd.s32 s1, s30  }
0xbb: {  	s0 =	sor.u32 s3, s0;
	s1 =	sshll.u32 s1, $0x11  }
0xbc: {  	s0 =	sor.u32 s1, s0  }
0xbd: {  	s0 =	sadd.s32 $0x8F2B, s0  }
0xbe: {  	[sflag:s0] =	ssyncadd.remote.s32 $0x1  }
0xbf: {  	_ =	sfence.sel $0xFFFF  }
0xc0: {  	[dreg:$0x0] =	wrdreg $0xFFFFFFFF;
	(pc) =	sbr.abs _section_cstart, $3  }
0xc1: {  	[dreg:$0x1] =	wrdreg $0xFFFFFFFF  }
0xc2: {  	_ =	task.clear_ibuf [dreg:s7], $0x2FFFF;
	_ =	strace $0x9FFFFFFF  }
0xc3: {  	(tm) =	ssettm $0x7FFFFFFF  }
tec
execute0_lowered:
.L_overlay_start_1:
0x0: {  	(tag) =	ssettag $0x1  }
0x1: {  	s0 =	rddreg [dreg:$0x0]  }
0x2: {  	s3 =	rddreg [dreg:$0x1]  }
0x3: {  	s2 =	srdreg.scid;
	s1 =	rddreg [dreg:$0x2];
	s20 =	simm.s32 $0x0  }
0x4: {  	s17 =	simm.s32 $0x1600;
	s28 =	simm.s32 $0x1200;
	s29 =	simm.s32 $0x1280  }
0x5: {  	s30 =	simm.s32 $0x1300;
	s31 =	simm.s32 $0x1380;
	s12 =	sand.u32 $0x1, s2  }
0x6: {  	[smem:$0x7FF] =	sst s20;
	s2 =	stileid.u32;
	s3 =	sadd.s32 $0x1C00, s3  }
0x7: {  	s4 =	smul.u32 $0xFFFFE400, s12;
	s5 =	ssub.s32 $0x2, s12;
	_ =	strace $0x80000047  }
0x8: {  	s21 =	sshll.u32 s12, $0x7;
	s22 =	sshrl.u32 s2, $0x3;
	s9 =	smul.u32 $0x1C0, s2  }
0x9: {  	s7 =	sshll.u32 s2, $0x7;
	s14 =	smul.u32 $0x15000, s2;
	s24 =	sshll.u32 s2, $0x4  }
0xa: {  	s15 =	smul.u32 $0x1C000, s2;
	s19 =	sshll.u32 s12, $0x9;
	p0 =	sne.s32 s12, $0x0  }
0xb: {  	s12 =	simm.s32 $0x1680;
	s6 =	sshrl.u32 s5, $0x1;
	s16 =	ssub.s32 $0x200, s21  }
0xc: {  	s8 =	smul.u32 $0x38000, s22;
	s10 =	sand.u32 $0x380, s7;
	s4 =	sadd.s32 $0x7000, s4  }
0xd: {  	s11 =	ssub.s32 s5, s6;
	s13 =	smul.u32 $0x37F, s16;
	s25 =	sshrl.u32 s14, $0x2  }
0xe: {  	s26 =	sshrl.u32 s15, $0x2;
	s14 =	simm.s32 $0x1;
	s15 =	simm.s32 $0x80  }
0xf: {  	v2 =	vmov s16;
	s16 =	simm.s32 $0x0;
	s4 =	smul.u32 s2, s4;
	s10 =	sor.u32 s10, s8  }
0x10: {  	s8 =	sadd.s32 s0, s9;
	s11 =	smax.u32 s11, $0x1;
	s23 =	sadd.s32 $0x70000, s10  }
0x11: {  	s18 =	sadd.s32 s24, s13;
	s10 =	sshrl.u32 s10, $0x3;
	s13 =	simm.s32 $0x2  }
0x12: {  	s4 =	sadd.s32 s4, s1;
	s0 =	sshrl.u32 s23, $0x3;
	s10 =	sadd.s32 s3, s10  }
0x13: {  	s5 =	sadd.s32 $0x1C00, s4;
	s6 =	sadd.s32 $0x3800, s4;
	s7 =	sadd.s32 $0x5400, s4  }
0x14: {  	s9 =	sadd.s32 s3, s0;
	s0 =	sadd.s32 s25, s1;
	s3 =	sadd.s32 s26, s1  }
0x15: {  	v0 =	vlaneseq.u32;
	s25 =	simm.s32 $0x1100;
	s26 =	simm.s32 $0x1180;
	s21 =	sshrl.u32 @p0 s0, $0x3  }
0x16: {  	v3 =	vimm.f32 $0.0e+00;
	v1 =	vmov s19;
	v0 =	vor.u32 s18, v0;
	s22 =	sshrl.u32 @!p0 s3, $0x3;
	s0 =	simm.s32 $0x1400;
	s3 =	simm.s32 $0x1480  }
.LBB2_1:
0x17: {  	s18 =	simm.s32 $0x40;
	s19 =	simm.s32 $0x0  }
.LBB2_2:
0x18: {  	p1 =	sne.s32 s18, $0x6FC0;
	[tilespmem:s19+$0x1680] =	vst v3;
	s19 =	smov.u32 s18;
	s18 =	sadd.s32 $0x40, s18  }
.Ltmp0:
0x19: {  	(pc) =	sbr.rel @p1 .LBB2_2-.Ltmp0, $2  }
0x1a: {  	_ =	sdelay $0x2  }
0x1b: {  	s19 =	sshra.s32 s19, $0x2  }
0x1c: {  	[tilespmem:s19+$0x1680] =	vst v3  }
0x1d: {  	[spmem:s4] =	stream.linear.scatter [tilespmem:s12], [sflag:$0x1], $0x1C00, $0x38;
	[tilespmem:$0xA280] =	vst v63  }
0x1e: {  	_ = 	snop  }
0x1f: {  	[spmem:s5] =	stream.linear.scatter [tilespmem:s12], [sflag:$0x1], $0x1C00, $0x38;
	[tilespmem:$0xA280] =	vst v63  }
0x20: {  	_ = 	snop  }
0x21: {  	v4 =	vimm.f32 $1.000000000e+00;
	[spmem:s6] =	stream.linear.scatter [tilespmem:s12], [sflag:$0x1], $0x1C00, $0x38;
	[tilespmem:$0xA280] =	vst v63  }
0x22: {  	[tilespmem:$0x1600] =	vst v4  }
0x23: {  	[tilespmem:$0x1610] =	vst v4  }
0x24: {  	[tilespmem:$0x1620] =	vst v4  }
0x25: {  	[tilespmem:$0x1630] =	vst v4  }
0x26: {  	[tilespmem:$0x1640] =	vst v4  }
0x27: {  	[tilespmem:$0x1650] =	vst v4  }
0x28: {  	[tilespmem:$0x1660] =	vst v4  }
0x29: {  	s18 =	simm.s32 @!p0 $0x1680;
	[tilespmem:$0x1670] =	vst v4  }
0x2a: {  	[spmem:s7] =	stream.linear.scatter @!p0 [tilespmem:s18], [sflag:$0x2], $0x1C00, $0x38;
	[tilespmem:$0xA280] =	vst v63  }
0x2b: {  	s18 =	simm.s32 @!p0 $0x2  }
0x2c: {  	_ =	swait.ge @!p0 [sflag:s18], $0x1C00  }
0x2d: {  	[sflag:s18] =	ssyncset.done @!p0 $0x0  }
0x2e: {  	s24 =	simm.s32 $0x0;
	[sflag:s18] =	ssyncadd.s32 @!p0 $0xFFFFE400  }
0x2f: {  	[tilespmem:s24], [sflag:$0x2] =	stream.linear.gather [hbm4b:s8+s24], $0xE00, $0x38;
	[tilespmem:$0xA280] =	vst v63  }
0x30: {  	_ =	swait.ge [sflag:s13], $0xE00  }
0x31: {  	[sflag:s13] =	ssyncset.done $0x0  }
0x32: {  	[sflag:s13] =	ssyncadd.s32 $0xFFFFF200  }
0x33: {  	v4 =	vld [tilespmem:$0x80]  }
0x34: {  	v5 =	vld [tilespmem:$0x0]  }
0x35: {  	v6 =	vld [tilespmem:$0x90]  }
0x36: {  	v7 =	vld [tilespmem:$0x10]  }
0x37: {  	v8 =	vld [tilespmem:$0xA0]  }
0x38: {  	v10 =	vld [tilespmem:$0xB0]  }
0x39: {  	v11 =	vld [tilespmem:$0x30]  }
0x3a: {  	v43 =	vld [tilespmem:$0x40]  }
0x3b: {  	v44 =	vld [tilespmem:$0xC0]  }
0x3c: {  	v12 =	vld [tilespmem:$0xD0]  }
0x3d: {  	v13 =	vld [tilespmem:$0x50]  }
0x3e: {  	v14 =	vld [tilespmem:$0xE0]  }
0x3f: {  	v16 =	vld [tilespmem:$0xF0]  }
0x40: {  	v50 =	vld [tilespmem:$0x180]  }
0x41: {  	v17 =	vld [tilespmem:$0x190]  }
0x42: {  	v54 =	vld [tilespmem:$0x110]  }
0x43: {  	v55 =	vld [tilespmem:$0x120]  }
0x44: {  	v56 =	vld [tilespmem:$0x1A0]  }
0x45: {  	v18 =	vld [tilespmem:$0x1B0]  }
0x46: {  	v19 =	vld [tilespmem:$0x130]  }
0x47: {  	v20 =	vld [tilespmem:$0x1C0]  }
0x48: {  	v58 =	vld [tilespmem:$0x140]  }
0x49: {  	v61 =	vld [tilespmem:$0x1E0]  }
0x4a: {  	v23 =	vld [tilespmem:$0x1F0]  }
0x4b: {  	v24 =	vld [tilespmem:$0x290]  }
0x4c: {  	v29 =	vld [tilespmem:$0x2D0]  }
0x4d: {  	v30 =	vld [tilespmem:$0x2F0];
	v5 =	vsub.s32 v5, v1;
	v4 =	vmul.u32 v2, v4;
	v7 =	vsub.s32 v7, v1  }
0x4e: {  	v31 =	vld [tilespmem:$0x270];
	v6 =	vmul.u32 v2, v6;
	v8 =	vmul.u32 v2, v8;
	v11 =	vsub.s32 v11, v1  }
0x4f: {  	v32 =	vld [tilespmem:$0x380];
	v10 =	vmul.u32 v2, v10;
	v46 =	vsub.s32 v43, v1;
	v15 =	vmul.u32 v2, v44  }
0x50: {  	v33 =	vld [tilespmem:$0x390];
	v49 =	vsub.s32 v13, v1;
	v12 =	vmul.u32 v2, v12;
	v52 =	vmul.u32 v2, v14  }
0x51: {  	v40 =	vld [tilespmem:$0x3A0];
	v53 =	vmul.u32 v2, v16;
	v13 =	vmul.u32 v2, v50;
	v16 =	vsub.s32 v54, v1  }
0x52: {  	v35 =	vld [tilespmem:$0x3B0];
	v17 =	vmul.u32 v2, v17;
	v14 =	vsub.s32 v55, v1;
	v59 =	vmul.u32 v2, v56  }
0x53: {  	v60 =	vsub.s32 v19, v1;
	v18 =	vmul.u32 v2, v18;
	v62 =	vsub.s32 v58, v1  }
0x54: {  	v63 =	vmul.u32 v2, v20;
	v19 =	vmul.u32 v2, v61;
	v23 =	vmul.u32 v2, v23  }
0x55: {  	v24 =	vmul.u32 v2, v24;
	v29 =	vmul.u32 v2, v29;
	v39 =	vsub.s32 v31, v1  }
0x56: {  	v30 =	vmul.u32 v2, v30;
	v41 =	vmul.u32 v2, v32;
	v42 =	vmul.u32 v2, v33  }
0x57: {  	v31 =	vmul.u32 v2, v40;
	v35 =	vmul.u32 v2, v35;
	vm0 =	vgt.s32 v5, $0xFFFFFFFF  }
0x58: {  	v9 =	vld [tilespmem:$0x20];
	vm1 =	vlt.s32 v5, v2;
	vm13 =	vgt.s32 v7, $0xFFFFFFFF;
	vm2 =	vlt.s32 v7, v2  }
0x59: {  	v47 =	vld [tilespmem:$0x60];
	vm4 =	vgt.s32 v11, $0xFFFFFFFF;
	vm5 =	vlt.s32 v11, v2;
	vm6 =	vgt.s32 v46, $0xFFFFFFFF  }
0x5a: {  	vm3 =	vlt.s32 v46, v2;
	vm8 =	vgt.s32 v49, $0xFFFFFFFF;
	vm9 =	vlt.s32 v49, v2  }
0x5b: {  	vm0 =	vmand vm0, vm1;
	v4 =	vadd.s32 v4, v5;
	vm1 =	vmand vm13, vm2  }
0x5c: {  	v5 =	vadd.s32 v6, v7;
	v45 =	vadd.s32 v10, v11;
	v4 =	vsel vm0, v4, v0  }
0x5d: {  	v21 =	vld [tilespmem:$0x1D0];
	vm7 =	vmand vm6, vm3;
	v48 =	vadd.s32 v15, v46;
	[tilespmem:$0x1FEB0] =	vst v4;
	v4 =	vsel vm1, v5, v0  }
0x5e: {  	v26 =	vld [tilespmem:$0x2A0];
	v10 =	vadd.s32 v12, v49;
	v11 =	vsub.s32 v47, v1;
	[tilespmem:$0x1FEC0] =	vst v4;
	v4 =	vsub.s32 v9, v1  }
0x5f: {  	v43 =	vld [tilespmem:$0x330];
	v57 =	vadd.s32 v17, v16;
	vm14 =	vgt.s32 v4, $0xFFFFFFFF;
	vm15 =	vlt.s32 v4, v2  }
0x60: {  	v44 =	vld [tilespmem:$0x340];
	vm6 =	vgt.s32 v14, $0xFFFFFFFF;
	v4 =	vadd.s32 v8, v4;
	vm0 =	vmand vm14, vm15  }
0x61: {  	v17 =	vadd.s32 v18, v60;
	v47 =	vld [tilespmem:$0x360];
	vm1 =	vmand vm4, vm5;
	v4 =	vsel vm0, v4, v0  }
0x62: {  	vm10 =	vgt.s32 v11, $0xFFFFFFFF;
	vm11 =	vlt.s32 v11, v2;
	[tilespmem:$0x1FED0] =	vst v4;
	v4 =	vsel vm1, v45, v0  }
0x63: {  	v11 =	vadd.s32 v52, v11;
	v5 =	vsel vm7, v48, v0;
	vm4 =	vgt.s32 v16, $0xFFFFFFFF;
	[tilespmem:$0x1FEE0] =	vst v4;
	v4 =	vld [tilespmem:$0x70]  }
0x64: {  	vm5 =	vlt.s32 v16, v2;
	vm7 =	vlt.s32 v14, v2;
	v14 =	vadd.s32 v59, v14  }
0x65: {  	v51 =	vld [tilespmem:$0x100];
	v16 =	vmul.u32 v2, v26;
	v33 =	vsub.s32 v43, v1;
	v32 =	vsub.s32 v44, v1  }
0x66: {  	v9 =	vld [tilespmem:$0x170];
	v8 =	vmul.u32 v2, v21;
	v46 =	vadd.s32 v35, v33;
	v35 =	vsub.s32 v47, v1  }
0x67: {  	v44 =	vld [tilespmem:$0x4C0];
	vm0 =	vmand vm8, vm9;
	vm8 =	vmand vm6, vm7;
	vm9 =	vgt.s32 v60, $0xFFFFFFFF  }
0x68: {  	[tilespmem:$0x1FEF0] =	vst v5;
	v5 =	vsel vm0, v10, v0;
	vm0 =	vmand vm10, vm11;
	v4 =	vsub.s32 v4, v1  }
0x69: {  	v25 =	vld [tilespmem:$0x210];
	vm10 =	vlt.s32 v60, v2;
	vm12 =	vgt.s32 v4, $0xFFFFFFFF;
	vm13 =	vlt.s32 v4, v2  }
0x6a: {  	v15 =	vld [tilespmem:$0x2C0];
	[tilespmem:$0x1FF10] =	vst v5;
	v5 =	vsel vm0, v11, v0;
	v4 =	vadd.s32 v53, v4;
	vm1 =	vmand vm12, vm13  }
0x6b: {  	vm11 =	vgt.s32 v62, $0xFFFFFFFF;
	v10 =	vld [tilespmem:$0x200];
	v21 =	vsub.s32 v9, v1;
	[tilespmem:$0x1FF20] =	vst v5;
	v4 =	vsel vm1, v4, v0  }
0x6c: {  	v47 =	vld [tilespmem:$0x4F0];
	v59 =	vmul.u32 v2, v44;
	v5 =	vsel vm8, v14, v0;
	[tilespmem:$0x1FF30] =	vst v4;
	v4 =	vsub.s32 v51, v1  }
0x6d: {  	v22 =	vld [tilespmem:$0x160];
	vm6 =	vlt.s32 v21, v2;
	vm14 =	vgt.s32 v4, $0xFFFFFFFF;
	vm15 =	vlt.s32 v4, v2  }
0x6e: {  	v27 =	vld [tilespmem:$0x2B0];
	v12 =	vadd.s32 v23, v21;
	v4 =	vadd.s32 v13, v4;
	vm0 =	vmand vm14, vm15  }
0x6f: {  	v38 =	vld [tilespmem:$0x300];
	v14 =	vsub.s32 v25, v1;
	vm1 =	vmand vm4, vm5;
	v4 =	vsel vm0, v4, v0  }
0x70: {  	v18 =	vld [tilespmem:$0x250];
	v25 =	vmul.u32 v2, v15;
	v20 =	vsub.s32 v10, v1;
	[tilespmem:$0x1FF40] =	vst v4;
	v4 =	vsel vm1, v57, v0  }
0x71: {  	v47 =	vmul.u32 v2, v47;
	vm7 =	vgt.s32 v20, $0xFFFFFFFF;
	vm8 =	vlt.s32 v20, v2;
	[tilespmem:$0x1FF50] =	vst v4;
	v4 =	vld [tilespmem:$0x150]  }
0x72: {  	v43 =	vld [tilespmem:$0x430];
	vm12 =	vlt.s32 v62, v2;
	vm5 =	vgt.s32 v21, $0xFFFFFFFF;
	vm0 =	vmand vm9, vm10  }
0x73: {  	v58 =	vld [tilespmem:$0x4E0];
	[tilespmem:$0x1FF60] =	vst v5;
	vm9 =	vmand vm7, vm8;
	vm10 =	vgt.s32 v14, $0xFFFFFFFF;
	v5 =	vsel vm0, v17, v0  }
0x74: {  	v13 =	vld [tilespmem:$0x220];
	vm0 =	vmand vm11, vm12;
	v17 =	vadd.s32 v63, v62;
	vm11 =	vlt.s32 v14, v2  }
0x75: {  	v62 =	vld [tilespmem:$0x500];
	[tilespmem:$0x1FF70] =	vst v5;
	v5 =	vsel vm0, v17, v0;
	v17 =	vmul.u32 v2, v27;
	v27 =	vsub.s32 v18, v1  }
0x76: {  	v37 =	vadd.s32 v29, v27;
	v29 =	vsub.s32 v38, v1;
	v38 =	vld [tilespmem:$0x3E0];
	v4 =	vsub.s32 v4, v1  }
0x77: {  	v53 =	vld [tilespmem:$0x420];
	v57 =	vsub.s32 v43, v1;
	vm13 =	vgt.s32 v4, $0xFFFFFFFF;
	vm14 =	vlt.s32 v4, v2  }
0x78: {  	v11 =	vld [tilespmem:$0x280];
	v43 =	vmul.u32 v2, v58;
	v4 =	vadd.s32 v8, v4;
	vm1 =	vmand vm13, vm14  }
0x79: {  	v58 =	vld [tilespmem:$0x610];
	v23 =	vsub.s32 v13, v1;
	vm7 =	vlt.s32 v27, v2;
	v4 =	vsel vm1, v4, v0  }
0x7a: {  	vm12 =	vgt.s32 v23, $0xFFFFFFFF;
	v44 =	vsub.s32 v62, v1;
	[tilespmem:$0x1FF90] =	vst v4;
	v4 =	vsub.s32 v22, v1  }
0x7b: {  	v50 =	vmul.u32 v2, v38;
	vm15 =	vgt.s32 v4, $0xFFFFFFFF;
	vm4 =	vlt.s32 v4, v2  }
0x7c: {  	v38 =	vsub.s32 v53, v1;
	v53 =	vld [tilespmem:$0x5D0];
	v4 =	vadd.s32 v19, v4;
	vm0 =	vmand vm15, vm4  }
0x7d: {  	vm1 =	vmand vm5, vm6;
	v22 =	vmul.u32 v2, v11;
	v19 =	vld [tilespmem:$0x260];
	v4 =	vsel vm0, v4, v0  }
0x7e: {  	v58 =	vsub.s32 v58, v1;
	vm13 =	vlt.s32 v23, v2;
	[tilespmem:$0x1FFA0] =	vst v4;
	v4 =	vsel vm1, v12, v0  }
0x7f: {  	v23 =	vadd.s32 v16, v23;
	vm6 =	vgt.s32 v27, $0xFFFFFFFF;
	v20 =	vadd.s32 v22, v20;
	[tilespmem:$0x1FFB0] =	vst v4;
	v4 =	vld [tilespmem:$0x230]  }
0x80: {  	[tilespmem:$0x1FF80] =	vst v5;
	v22 =	vadd.s32 v24, v14;
	v5 =	vsel vm9, v20, v0;
	vm0 =	vmand vm10, vm11  }
0x81: {  	v53 =	vmul.u32 v2, v53;
	vm11 =	vgt.s32 v39, $0xFFFFFFFF;
	[tilespmem:$0x1FFC0] =	vst v5;
	v5 =	vsel vm0, v22, v0  }
0x82: {  	v28 =	vld [tilespmem:$0x240];
	vm0 =	vmand vm12, vm13;
	vm12 =	vlt.s32 v39, v2;
	v26 =	vsub.s32 v19, v1  }
0x83: {  	v36 =	vld [tilespmem:$0x2E0];
	vm13 =	vgt.s32 v29, $0xFFFFFFFF;
	vm8 =	vgt.s32 v26, $0xFFFFFFFF;
	vm9 =	vlt.s32 v26, v2  }
0x84: {  	v21 =	vsel vm0, v23, v0;
	vm10 =	vmand vm8, vm9;
	v4 =	vsub.s32 v4, v1  }
0x85: {  	v56 =	vld [tilespmem:$0x440];
	vm8 =	vlt.s32 v33, v2;
	vm14 =	vgt.s32 v4, $0xFFFFFFFF;
	vm15 =	vlt.s32 v4, v2  }
0x86: {  	[tilespmem:$0x1FFD0] =	vst v5;
	v5 =	vld [tilespmem:$0x700];
	vm9 =	vgt.s32 v32, $0xFFFFFFFF;
	v4 =	vadd.s32 v17, v4;
	vm1 =	vmand vm14, vm15  }
0x87: {  	v52 =	vld [tilespmem:$0x410];
	vm14 =	vlt.s32 v29, v2;
	v29 =	vadd.s32 v41, v29;
	v4 =	vsel vm1, v4, v0  }
0x88: {  	v41 =	vld [tilespmem:$0x490];
	vm1 =	vmand vm6, vm7;
	[tilespmem:$0x1FFE0] =	vst v4;
	v4 =	vsub.s32 v28, v1;
	v28 =	vmul.u32 v2, v36  }
0x89: {  	v36 =	vld [tilespmem:$0x3D0];
	vm4 =	vgt.s32 v4, $0xFFFFFFFF;
	vm5 =	vlt.s32 v4, v2;
	v4 =	vadd.s32 v25, v4  }
0x8a: {  	vm0 =	vmand vm4, vm5;
	v26 =	vadd.s32 v28, v26;
	v28 =	vadd.s32 v30, v39;
	v39 =	vld [tilespmem:$0x3F0]  }
0x8b: {  	v5 =	vsub.s32 v5, v1;
	v18 =	vsel vm0, v4, v0;
	v4 =	vsel vm1, v37, v0;
	v37 =	vld [tilespmem:$0x350]  }
0x8c: {  	v49 =	vld [tilespmem:$0x480];
	vm7 =	vgt.s32 v33, $0xFFFFFFFF;
	v20 =	vsel vm10, v26, v0;
	vm0 =	vmand vm11, vm12  }
0x8d: {  	vm10 =	vlt.s32 v32, v2;
	v41 =	vmul.u32 v2, v41;
	[tilespmem:$0x1FFF0] =	vst v4;
	v4 =	vld [tilespmem:$0x310];
	v19 =	vsel vm0, v28, v0  }
0x8e: {  	vm0 =	vmand vm13, vm14;
	vm11 =	vmand vm9, vm10;
	vm14 =	vgt.s32 v35, $0xFFFFFFFF  }
0x8f: {  	vm10 =	vgt.s32 v38, $0xFFFFFFFF;
	v30 =	vsel vm0, v29, v0;
	v36 =	vmul.u32 v2, v36  }
0x90: {  	v34 =	vld [tilespmem:$0x320];
	v51 =	vmul.u32 v2, v39;
	v39 =	vsub.s32 v52, v1;
	v48 =	vsub.s32 v37, v1  }
0x91: {  	v45 =	vld [tilespmem:$0x3C0];
	v37 =	vmul.u32 v2, v49;
	vm9 =	vlt.s32 v39, v2;
	v55 =	vadd.s32 v41, v39  }
0x92: {  	v10 =	vld [tilespmem:$0x5C0];
	v41 =	vsub.s32 v56, v1;
	v4 =	vsub.s32 v4, v1;
	vm12 =	vgt.s32 v48, $0xFFFFFFFF  }
0x93: {  	v49 =	vld [tilespmem:$0x510];
	vm13 =	vlt.s32 v48, v2;
	vm15 =	vgt.s32 v4, $0xFFFFFFFF;
	vm4 =	vlt.s32 v4, v2  }
0x94: {  	v56 =	vld [tilespmem:$0x680];
	v4 =	vadd.s32 v42, v4;
	vm1 =	vmand vm15, vm4;
	vm15 =	vlt.s32 v35, v2  }
0x95: {  	v35 =	vadd.s32 v50, v35;
	v29 =	vsel vm1, v4, v0;
	v4 =	vsub.s32 v34, v1  }
0x96: {  	v42 =	vld [tilespmem:$0x4B0];
	vm1 =	vmand vm7, vm8;
	v34 =	vmul.u32 v2, v45;
	vm8 =	vgt.s32 v39, $0xFFFFFFFF  }
0x97: {  	v61 =	vld [tilespmem:$0x470];
	vm5 =	vgt.s32 v4, $0xFFFFFFFF;
	vm6 =	vlt.s32 v4, v2;
	v4 =	vadd.s32 v31, v4  }
0x98: {  	v14 =	vld [tilespmem:$0x560];
	v31 =	vsel vm1, v46, v0;
	v9 =	vsub.s32 v49, v1;
	v49 =	vmul.u32 v2, v10  }
0x99: {  	v45 =	vld [tilespmem:$0x4D0];
	v56 =	vmul.u32 v2, v56;
	vm0 =	vmand vm5, vm6;
	v32 =	vadd.s32 v34, v32  }
0x9a: {  	v50 =	vld [tilespmem:$0x5A0];
	v34 =	vadd.s32 v36, v48;
	v33 =	vsel vm0, v4, v0;
	v32 =	vsel vm11, v32, v0  }
0x9b: {  	v4 =	vld [tilespmem:$0x370];
	vm0 =	vmand vm12, vm13;
	vm11 =	vlt.s32 v38, v2;
	v42 =	vmul.u32 v2, v42  }
0x9c: {  	v8 =	vld [tilespmem:$0x520];
	vm13 =	vgt.s32 v57, $0xFFFFFFFF;
	v28 =	vsel vm0, v34, v0;
	vm0 =	vmand vm14, vm15  }
0x9d: {  	v48 =	vld [tilespmem:$0x590];
	vm12 =	vmand vm10, vm11;
	vm14 =	vlt.s32 v57, v2;
	vm15 =	vgt.s32 v41, $0xFFFFFFFF  }
0x9e: {  	vm11 =	vgt.s32 v44, $0xFFFFFFFF;
	v60 =	vmul.u32 v2, v45;
	v45 =	vsub.s32 v61, v1;
	v61 =	vld [tilespmem:$0x640]  }
0x9f: {  	v40 =	vld [tilespmem:$0x400];
	v11 =	vmul.u32 v2, v50;
	v50 =	vsub.s32 v14, v1;
	v26 =	vsel vm0, v35, v0  }
0xa0: {  	v54 =	vld [tilespmem:$0x4A0];
	vm10 =	vlt.s32 v45, v2;
	v7 =	vadd.s32 v47, v45;
	v4 =	vsub.s32 v4, v1  }
0xa1: {  	v47 =	vsub.s32 v8, v1;
	vm4 =	vgt.s32 v4, $0xFFFFFFFF;
	vm5 =	vlt.s32 v4, v2  }
0xa2: {  	v13 =	vld [tilespmem:$0x550];
	v48 =	vmul.u32 v2, v48;
	v4 =	vadd.s32 v51, v4;
	vm1 =	vmand vm4, vm5  }
0xa3: {  	v17 =	vld [tilespmem:$0x690];
	vm4 =	vlt.s32 v41, v2;
	v41 =	vadd.s32 v59, v41;
	v14 =	vsub.s32 v61, v1  }
0xa4: {  	v51 =	vld [tilespmem:$0x5B0];
	v27 =	vsel vm1, v4, v0;
	v4 =	vsub.s32 v40, v1;
	vm1 =	vmand vm8, vm9  }
0xa5: {  	v59 =	vld [tilespmem:$0x6B0];
	v40 =	vmul.u32 v2, v54;
	vm9 =	vgt.s32 v45, $0xFFFFFFFF;
	vm6 =	vgt.s32 v4, $0xFFFFFFFF  }
0xa6: {  	v54 =	vld [tilespmem:$0x5E0];
	vm7 =	vlt.s32 v4, v2;
	v4 =	vadd.s32 v37, v4;
	v23 =	vsel vm1, v55, v0  }
0xa7: {  	v55 =	vld [tilespmem:$0x570];
	vm0 =	vmand vm6, vm7;
	v38 =	vadd.s32 v40, v38;
	v40 =	vadd.s32 v42, v57  }
0xa8: {  	v37 =	vld [tilespmem:$0x630];
	v22 =	vsel vm0, v4, v0;
	v25 =	vsel vm12, v38, v0;
	vm0 =	vmand vm13, vm14  }
0xa9: {  	v57 =	vld [tilespmem:$0x600];
	vm12 =	vlt.s32 v44, v2;
	vm14 =	vgt.s32 v9, $0xFFFFFFFF;
	v12 =	vmul.u32 v2, v51  }
0xaa: {  	v4 =	vld [tilespmem:$0x450];
	v51 =	vsub.s32 v13, v1;
	v24 =	vsel vm0, v40, v0;
	vm0 =	vmand vm15, vm4  }
0xab: {  	v35 =	vld [tilespmem:$0x620];
	vm13 =	vmand vm11, vm12;
	vm15 =	vlt.s32 v9, v2;
	vm4 =	vgt.s32 v47, $0xFFFFFFFF  }
0xac: {  	vm11 =	vlt.s32 v51, v2;
	v16 =	vadd.s32 v53, v51;
	v53 =	vmul.u32 v2, v17;
	v40 =	vld [tilespmem:$0x6F0]  }
0xad: {  	vm12 =	vgt.s32 v50, $0xFFFFFFFF;
	v59 =	vmul.u32 v2, v59;
	v42 =	vsel vm0, v41, v0  }
0xae: {  	v46 =	vld [tilespmem:$0x460];
	v54 =	vmul.u32 v2, v54;
	v34 =	vsub.s32 v55, v1;
	v53 =	vadd.s32 v53, v58  }
0xaf: {  	v63 =	vld [tilespmem:$0x580];
	v36 =	vsub.s32 v57, v1;
	v57 =	vsub.s32 v37, v1;
	v4 =	vsub.s32 v4, v1  }
0xb0: {  	v55 =	vsub.s32 v35, v1;
	vm3 =	vgt.s32 v57, $0xFFFFFFFF;
	vm5 =	vgt.s32 v4, $0xFFFFFFFF  }
0xb1: {  	vm6 =	vlt.s32 v4, v2;
	v4 =	vadd.s32 v60, v4;
	v6 =	vmul.u32 v2, v40  }
0xb2: {  	vm1 =	vmand vm5, vm6;
	vm5 =	vlt.s32 v47, v2;
	v47 =	vadd.s32 v11, v47  }
0xb3: {  	v38 =	vld [tilespmem:$0x650];
	v41 =	vsel vm1, v4, v0;
	v4 =	vsub.s32 v46, v1;
	vm1 =	vmand vm9, vm10  }
0xb4: {  	v60 =	vld [tilespmem:$0x6C0];
	v46 =	vmul.u32 v2, v63;
	vm10 =	vgt.s32 v51, $0xFFFFFFFF;
	vm7 =	vgt.s32 v4, $0xFFFFFFFF  }
0xb5: {  	v40 =	vld [tilespmem:$0x7D0];
	vm8 =	vlt.s32 v4, v2;
	v4 =	vadd.s32 v43, v4;
	v43 =	vsel vm1, v7, v0  }
0xb6: {  	vm0 =	vmand vm7, vm8;
	v44 =	vadd.s32 v46, v44;
	v46 =	vadd.s32 v48, v9  }
0xb7: {  	v63 =	vld [tilespmem:$0x660];
	v45 =	vsel vm0, v4, v0;
	v44 =	vsel vm13, v44, v0;
	vm0 =	vmand vm14, vm15  }
0xb8: {  	v4 =	vld [tilespmem:$0x530];
	vm13 =	vlt.s32 v50, v2;
	v50 =	vadd.s32 v54, v50;
	vm15 =	vgt.s32 v34, $0xFFFFFFFF  }
0xb9: {  	v15 =	vld [tilespmem:$0x5F0];
	v54 =	vadd.s32 v56, v36;
	v60 =	vmul.u32 v2, v60;
	v56 =	vsub.s32 v38, v1  }
0xba: {  	v62 =	vld [tilespmem:$0x6D0];
	v8 =	vmul.u32 v2, v40;
	v46 =	vsel vm0, v46, v0;
	vm0 =	vmand vm4, vm5  }
0xbb: {  	v52 =	vld [tilespmem:$0x540];
	vm14 =	vmand vm12, vm13;
	vm4 =	vlt.s32 v34, v2;
	vm5 =	vgt.s32 v36, $0xFFFFFFFF  }
0xbc: {  	[tilespmem:$0xF80] =	vst v30;
	v30 =	vld [tilespmem:$0xAA0];
	vm12 =	vlt.s32 v14, v2;
	vm2 =	vgt.s32 v56, $0xFFFFFFFF;
	v48 =	vsel vm0, v47, v0  }
0xbd: {  	v39 =	vld [tilespmem:$0x6E0];
	v50 =	vsel vm14, v50, v0;
	v63 =	vsub.s32 v63, v1;
	v4 =	vsub.s32 v4, v1  }
0xbe: {  	v17 =	vld [tilespmem:$0x790];
	vm13 =	vlt.s32 v63, v2;
	vm6 =	vgt.s32 v4, $0xFFFFFFFF;
	vm7 =	vlt.s32 v4, v2  }
0xbf: {  	v38 =	vld [tilespmem:$0x730];
	v4 =	vadd.s32 v12, v4;
	vm1 =	vmand vm6, vm7;
	vm6 =	vlt.s32 v36, v2  }
0xc0: {  	[tilespmem:$0xF90] =	vst v29;
	v29 =	vld [tilespmem:$0x960];
	vm7 =	vgt.s32 v58, $0xFFFFFFFF;
	v47 =	vsel vm1, v4, v0;
	v4 =	vsub.s32 v52, v1  }
0xc1: {  	v13 =	vld [tilespmem:$0x670];
	vm1 =	vmand vm10, vm11;
	v52 =	vmul.u32 v2, v15;
	vm10 =	vlt.s32 v55, v2  }
0xc2: {  	v35 =	vld [tilespmem:$0x720];
	vm8 =	vgt.s32 v4, $0xFFFFFFFF;
	vm9 =	vlt.s32 v4, v2;
	v4 =	vadd.s32 v49, v4  }
0xc3: {  	v11 =	vld [tilespmem:$0x800];
	v49 =	vsel vm1, v16, v0;
	v16 =	vmul.u32 v2, v62;
	vm0 =	vmand vm8, vm9  }
0xc4: {  	v62 =	vmul.u32 v2, v17;
	v17 =	vsub.s32 v38, v1;
	v51 =	vsel vm0, v4, v0;
	v4 =	vld [tilespmem:$0x6A0]  }
0xc5: {  	[tilespmem:$0x1070] =	vst v43;
	v43 =	vld [tilespmem:$0xA40];
	v52 =	vadd.s32 v52, v34;
	vm8 =	vlt.s32 v58, v2;
	vm9 =	vgt.s32 v55, $0xFFFFFFFF  }
0xc6: {  	v40 =	vld [tilespmem:$0x880];
	v58 =	vmul.u32 v2, v39;
	vm0 =	vmand vm15, vm4;
	vm1 =	vmand vm7, vm8  }
0xc7: {  	v36 =	vld [tilespmem:$0x7B0];
	vm8 =	vmand vm9, vm10;
	vm9 =	vgt.s32 v14, $0xFFFFFFFF;
	vm4 =	vlt.s32 v56, v2  }
0xc8: {  	[tilespmem:$0x10A0] =	vst v48;
	v48 =	vld [tilespmem:$0xA60];
	vm7 =	vgt.s32 v63, $0xFFFFFFFF;
	vm10 =	vlt.s32 v5, v2;
	v52 =	vsel vm0, v52, v0  }
0xc9: {  	v15 =	vld [tilespmem:$0x780];
	vm0 =	vmand vm5, vm6;
	v53 =	vsel vm1, v53, v0;
	v4 =	vmul.u32 v2, v4  }
0xca: {  	v34 =	vld [tilespmem:$0x7A0];
	vm5 =	vlt.s32 v57, v2;
	v57 =	vadd.s32 v59, v57;
	v59 =	vadd.s32 v60, v14  }
0xcb: {  	v60 =	vadd.s32 v16, v56;
	v63 =	vadd.s32 v58, v63;
	v12 =	vadd.s32 v4, v55;
	v4 =	vld [tilespmem:$0x710]  }
0xcc: {  	[tilespmem:$0x10E0] =	vst v50;
	v50 =	vld [tilespmem:$0xA70];
	vm6 =	vgt.s32 v5, $0xFFFFFFFF;
	v58 =	vsub.s32 v35, v1;
	v7 =	vmul.u32 v2, v36  }
0xcd: {  	v39 =	vld [tilespmem:$0x740];
	vm9 =	vmand vm9, vm12;
	vm4 =	vmand vm2, vm4;
	v54 =	vsel vm0, v54, v0  }
0xce: {  	v35 =	vld [tilespmem:$0x7E0];
	v37 =	vmul.u32 v2, v15;
	vm0 =	vmand vm3, vm5;
	vm3 =	vgt.s32 v17, $0xFFFFFFFF  }
0xcf: {  	vm5 =	vlt.s32 v17, v2;
	vm10 =	vmand vm6, vm10;
	[tilespmem:$0x1110] =	vst v53;
	v53 =	vsub.s32 v48, v1;
	v48 =	vld [tilespmem:$0xC80]  }
0xd0: {  	v10 =	vadd.s32 v37, v5;
	v56 =	vmul.u32 v2, v34;
	v34 =	vld [tilespmem:$0x750];
	v4 =	vsub.s32 v4, v1  }
0xd1: {  	v5 =	vimm.s32 $0x0;
	v61 =	vsel vm10, v10, v0;
	v10 =	vld [tilespmem:$0x1FF70];
	vm11 =	vgt.s32 v4, $0xFFFFFFFF  }
0xd2: {  	v17 =	vadd.s32 v7, v17;
	v37 =	vld [tilespmem:$0x7F0];
	v55 =	vsub.s32 v13, v1;
	v5 =	vsel vm11, $0xFFFFFFFF, v5  }
0xd3: {  	v57 =	vsel vm0, v57, v0;
	vm14 =	vgt.s32 v55, $0xFFFFFFFF;
	vm15 =	vlt.s32 v55, v2;
	[tilespmem:$0x1FEA0] =	vst v5;
	v5 =	vld [tilespmem:$0x7C0]  }
0xd4: {  	v36 =	vsub.s32 v39, v1;
	[tilespmem:$0x1130] =	vst v57;
	v57 =	vld [tilespmem:$0xB20];
	v9 =	vadd.s32 v6, v55;
	vm14 =	vmand vm14, vm15  }
0xd5: {  	v13 =	vadd.s32 v56, v58;
	v56 =	vsel vm9, v59, v0;
	v59 =	vsel vm14, v9, v0;
	v9 =	vld [tilespmem:$0x1FF60]  }
0xd6: {  	v39 =	vimm.s32 $0x0;
	vm12 =	vlt.s32 v36, v2;
	vm9 =	vgt.s32 v36, $0xFFFFFFFF;
	[tilespmem:$0xEB0] =	vst v10;
	v10 =	vld [tilespmem:$0x1FF90]  }
0xd7: {  	v55 =	vsel vm8, v12, v0;
	vm1 =	vlt.s32 v4, v2;
	v16 =	vadd.s32 v62, v4;
	v4 =	vld [tilespmem:$0x760]  }
0xd8: {  	vm8 =	vgt.s32 v58, $0xFFFFFFFF;
	v38 =	vsub.s32 v34, v1;
	v62 =	vld [tilespmem:$0x890];
	v5 =	vmul.u32 v2, v5  }
0xd9: {  	v14 =	vadd.s32 v8, v38;
	v8 =	vmul.u32 v2, v35;
	vm11 =	vlt.s32 v58, v2;
	v35 =	vld [tilespmem:$0x1FEA0]  }
0xda: {  	v58 =	vsel vm4, v60, v0;
	vm4 =	vgt.s32 v38, $0xFFFFFFFF;
	v15 =	vadd.s32 v5, v36;
	v5 =	vld [tilespmem:$0x770]  }
0xdb: {  	vm0 =	vmand vm7, vm13;
	vm12 =	vmand vm9, vm12;
	v6 =	vsel vm4, $0xFFFFFFFF, v39;
	v39 =	vld [tilespmem:$0x820]  }
0xdc: {  	v60 =	vsel vm0, v63, v0;
	[tilespmem:$0x1FF00] =	vst v6;
	v6 =	vmul.u32 v2, v40;
	v40 =	vld [tilespmem:$0x8B0];
	v4 =	vsub.s32 v4, v1  }
0xdd: {  	vm7 =	vgt.s32 v4, $0xFFFFFFFF;
	vm13 =	vlt.s32 v4, v2;
	v12 =	vadd.s32 v8, v4;
	v4 =	vld [tilespmem:$0x810]  }
0xde: {  	vm4 =	vlt.s32 v38, v2;
	vm0 =	vnez.u8 v35;
	v35 =	vld [tilespmem:$0x1FEE0];
	v36 =	vmul.u32 v2, v37  }
0xdf: {  	v38 =	vsub.s32 v11, v1;
	v37 =	vld [tilespmem:$0x8A0];
	vm0 =	vmand vm0, vm1;
	v5 =	vsub.s32 v5, v1  }
0xe0: {  	vm14 =	vgt.s32 v5, $0xFFFFFFFF;
	vm15 =	vlt.s32 v5, v2;
	v34 =	vadd.s32 v36, v5;
	v5 =	vld [tilespmem:$0x830]  }
0xe1: {  	vm8 =	vmand vm8, vm11;
	v62 =	vmul.u32 v2, v62;
	v63 =	vsel vm0, v16, v0;
	v16 =	vld [tilespmem:$0x1FED0]  }
0xe2: {  	vm6 =	vgt.s32 v38, $0xFFFFFFFF;
	vm10 =	vlt.s32 v38, v2;
	v4 =	vsub.s32 v4, v1;
	v36 =	vld [tilespmem:$0x8C0]  }
0xe3: {  	vm2 =	vgt.s32 v4, $0xFFFFFFFF;
	vm1 =	vlt.s32 v4, v2;
	v8 =	vadd.s32 v62, v4;
	v4 =	vld [tilespmem:$0x840]  }
0xe4: {  	[tilespmem:$0xEA0] =	vst v9;
	v9 =	vld [tilespmem:$0x1FF80];
	v11 =	vadd.s32 v6, v38;
	v7 =	vsub.s32 v39, v1;
	v39 =	vmul.u32 v2, v40  }
0xe5: {  	[tilespmem:$0xED0] =	vst v10;
	v10 =	vld [tilespmem:$0x9A0];
	vm0 =	vmand vm3, vm5;
	v62 =	vsel vm8, v13, v0;
	v5 =	vsub.s32 v5, v1  }
0xe6: {  	v38 =	vld [tilespmem:$0x1FEB0];
	[tilespmem:$0xE30] =	vst v35;
	v35 =	vsel vm0, v17, v0;
	v37 =	vmul.u32 v2, v37;
	vm3 =	vgt.s32 v5, $0xFFFFFFFF  }
0xe7: {  	v40 =	vld [tilespmem:$0x1FEC0];
	[tilespmem:$0xE20] =	vst v16;
	vm9 =	vlt.s32 v5, v2;
	v16 =	vadd.s32 v39, v5;
	v5 =	vmul.u32 v2, v36  }
0xe8: {  	v13 =	vadd.s32 v37, v7;
	v37 =	vsel vm12, v15, v0;
	v15 =	vld [tilespmem:$0x8D0];
	v4 =	vsub.s32 v4, v1  }
0xe9: {  	[tilespmem:$0xF20] =	vst v21;
	vm0 =	vgt.s32 v4, $0xFFFFFFFF;
	vm5 =	vlt.s32 v4, v2;
	v17 =	vadd.s32 v5, v4;
	v4 =	vld [tilespmem:$0x1FF00]  }
0xea: {  	[tilespmem:$0xFB0] =	vst v31;
	v5 =	vld [tilespmem:$0x850]  }
0xeb: {  	[tilespmem:$0xFA0] =	vst v33;
	v6 =	vld [tilespmem:$0x900]  }
0xec: {  	[tilespmem:$0xE00] =	vst v38;
	v38 =	vld [tilespmem:$0x1FF30]  }
0xed: {  	vm11 =	vlt.s32 v7, v2;
	[tilespmem:$0x1190] =	vst v63;
	v63 =	vld [tilespmem:$0xBD0];
	vm8 =	vgt.s32 v7, $0xFFFFFFFF;
	vm1 =	vmand vm2, vm1  }
0xee: {  	[tilespmem:$0xE10] =	vst v40;
	vm8 =	vmand vm8, vm11;
	v40 =	vld [tilespmem:$0x1FF50];
	vm14 =	vmand vm14, vm15;
	v15 =	vmul.u32 v2, v15  }
0xef: {  	[tilespmem:$0x10B0] =	vst v47;
	vm15 =	vmand vm6, vm10;
	vm12 =	vnez.u8 v4;
	v4 =	vld [tilespmem:$0x1FF10];
	v5 =	vsub.s32 v5, v1  }
0xf0: {  	[tilespmem:$0x10D0] =	vst v49;
	vm10 =	vgt.s32 v5, $0xFFFFFFFF;
	vm11 =	vlt.s32 v5, v2;
	v5 =	vadd.s32 v15, v5;
	v15 =	vld [tilespmem:$0x1FFA0]  }
0xf1: {  	[tilespmem:$0xE70] =	vst v38;
	v38 =	vsel vm1, v8, v0;
	v8 =	vld [tilespmem:$0x8F0]  }
0xf2: {  	[tilespmem:$0x1100] =	vst v54;
	v7 =	vld [tilespmem:$0x990]  }
0xf3: {  	[tilespmem:$0xE90] =	vst v40;
	vm0 =	vmand vm0, vm5;
	v36 =	vld [tilespmem:$0x1FEF0]  }
0xf4: {  	v40 =	vsel vm0, v17, v0;
	vm0 =	vmand vm10, vm11;
	[tilespmem:$0xE50] =	vst v4;
	v4 =	vld [tilespmem:$0x1FF20]  }
0xf5: {  	v34 =	vsel vm14, v34, v0;
	[tilespmem:$0xEE0] =	vst v15;
	v15 =	vsel vm0, v5, v0;
	v5 =	vld [tilespmem:$0x1FFB0]  }
0xf6: {  	[tilespmem:$0x11F0] =	vst v34;
	v34 =	vld [tilespmem:$0xD00]  }
0xf7: {  	[tilespmem:$0x1180] =	vst v61;
	v39 =	vld [tilespmem:$0x1FF40];
	vm4 =	vmand vm12, vm4  }
0xf8: {  	v33 =	vsub.s32 v29, v1;
	[tilespmem:$0xE40] =	vst v36;
	v36 =	vsel vm4, v14, v0;
	v14 =	vld [tilespmem:$0x8E0]  }
0xf9: {  	v47 =	vsub.s32 v43, v1;
	v54 =	vsub.s32 v50, v1;
	vm13 =	vmand vm7, vm13;
	[tilespmem:$0xE60] =	vst v4;
	v4 =	vld [tilespmem:$0x860]  }
0xfa: {  	v61 =	vsub.s32 v57, v1;
	v10 =	vmul.u32 v2, v10;
	v12 =	vsel vm13, v12, v0;
	[tilespmem:$0xEF0] =	vst v5;
	v5 =	vld [tilespmem:$0x1FFC0]  }
0xfb: {  	[tilespmem:$0xEC0] =	vst v9;
	v6 =	vsub.s32 v6, v1;
	v49 =	vmul.u32 v2, v63;
	vm9 =	vmand vm3, vm9;
	v17 =	vld [tilespmem:$0x980]  }
0xfc: {  	v11 =	vsel vm15, v11, v0;
	v13 =	vsel vm8, v13, v0;
	[tilespmem:$0xE80] =	vst v39;
	v39 =	vsel vm9, v16, v0;
	v16 =	vld [tilespmem:$0x870]  }
0xfd: {  	v31 =	vld [tilespmem:$0x9F0];
	[tilespmem:$0x1220] =	vst v13;
	v13 =	vmul.u32 v2, v48;
	vm5 =	vlt.s32 v6, v2;
	v8 =	vmul.u32 v2, v8  }
0xfe: {  	v9 =	vld [tilespmem:$0x910];
	v21 =	vmul.u32 v2, v7;
	[tilespmem:$0x1240] =	vst v40;
	v14 =	vmul.u32 v2, v14;
	v4 =	vsub.s32 v4, v1  }
0xff: {  	v40 =	vsub.s32 v34, v1;
	vm12 =	vgt.s32 v4, $0xFFFFFFFF;
	vm13 =	vlt.s32 v4, v2;
	[tilespmem:$0xF00] =	vst v5;
	v5 =	vld [tilespmem:$0x1FFD0]  }
0x100: {  	[tilespmem:$0xFC0] =	vst v32;
	v32 =	vld [tilespmem:$0x970];
	vm4 =	vgt.s32 v6, $0xFFFFFFFF;
	v4 =	vadd.s32 v14, v4;
	vm1 =	vmand vm12, vm13  }
0x101: {  	v14 =	vsel vm1, v4, v0;
	v4 =	vsub.s32 v16, v1;
	v16 =	vmul.u32 v2, v17;
	v17 =	vld [tilespmem:$0x920]  }
0x102: {  	vm14 =	vgt.s32 v4, $0xFFFFFFFF;
	vm15 =	vlt.s32 v4, v2;
	v4 =	vadd.s32 v8, v4;
	v8 =	vld [tilespmem:$0x9B0]  }
0x103: {  	vm1 =	vmand vm4, vm5;
	vm0 =	vmand vm14, vm15;
	v6 =	vadd.s32 v16, v6;
	v16 =	vld [tilespmem:$0x1FFE0]  }
0x104: {  	vm4 =	vgt.s32 v33, $0xFFFFFFFF;
	[tilespmem:$0xF10] =	vst v5;
	v5 =	vld [tilespmem:$0x930];
	v7 =	vsel vm0, v4, v0;
	v4 =	vsub.s32 v9, v1  }
0x105: {  	vm5 =	vlt.s32 v33, v2;
	v9 =	vld [tilespmem:$0x940];
	vm6 =	vgt.s32 v4, $0xFFFFFFFF;
	vm7 =	vlt.s32 v4, v2  }
0x106: {  	v4 =	vadd.s32 v21, v4;
	v21 =	vld [tilespmem:$0x1FFF0];
	vm0 =	vmand vm6, vm7;
	v17 =	vsub.s32 v17, v1  }
0x107: {  	[tilespmem:$0xF40] =	vst v18;
	v18 =	vsel vm0, v4, v0;
	vm8 =	vgt.s32 v17, $0xFFFFFFFF;
	vm9 =	vlt.s32 v17, v2;
	v4 =	vld [tilespmem:$0x9D0]  }
0x108: {  	[tilespmem:$0xF70] =	vst v19;
	v10 =	vadd.s32 v10, v17;
	v17 =	vld [tilespmem:$0x950];
	v8 =	vmul.u32 v2, v8;
	vm0 =	vmand vm8, vm9  }
0x109: {  	[tilespmem:$0xF30] =	vst v16;
	v16 =	vsel vm1, v6, v0;
	v6 =	vld [tilespmem:$0x9C0];
	v5 =	vsub.s32 v5, v1;
	v19 =	vsel vm0, v10, v0  }
0x10a: {  	[tilespmem:$0xF60] =	vst v20;
	v57 =	vld [tilespmem:$0xC20];
	v9 =	vsub.s32 v9, v1;
	vm10 =	vgt.s32 v5, $0xFFFFFFFF;
	vm11 =	vlt.s32 v5, v2  }
0x10b: {  	[tilespmem:$0xFD0] =	vst v28;
	v10 =	vld [tilespmem:$0x9E0];
	vm12 =	vgt.s32 v9, $0xFFFFFFFF;
	vm13 =	vlt.s32 v9, v2;
	v5 =	vadd.s32 v8, v5  }
0x10c: {  	v28 =	vld [tilespmem:$0xA00];
	[tilespmem:$0xFE0] =	vst v26;
	v8 =	vmul.u32 v2, v31;
	vm0 =	vmand vm10, vm11;
	vm1 =	vmand vm12, vm13  }
0x10d: {  	v29 =	vld [tilespmem:$0xA10];
	[tilespmem:$0xF50] =	vst v21;
	v21 =	vsel vm0, v5, v0;
	v5 =	vsub.s32 v17, v1;
	v4 =	vmul.u32 v2, v4  }
0x10e: {  	[tilespmem:$0x1040] =	vst v42;
	v42 =	vld [tilespmem:$0xAC0];
	v6 =	vmul.u32 v2, v6;
	vm14 =	vgt.s32 v5, $0xFFFFFFFF;
	vm15 =	vlt.s32 v5, v2  }
0x10f: {  	[tilespmem:$0x1010] =	vst v23;
	v31 =	vld [tilespmem:$0xA20];
	v17 =	vsub.s32 v57, v1;
	vm0 =	vmand vm14, vm15;
	v4 =	vadd.s32 v4, v5  }
0x110: {  	[tilespmem:$0x1050] =	vst v41;
	v41 =	vld [tilespmem:$0xA30];
	v10 =	vmul.u32 v2, v10;
	v6 =	vadd.s32 v6, v9;
	v23 =	vsel vm0, v4, v0  }
0x111: {  	[tilespmem:$0x1080] =	vst v44;
	v44 =	vld [tilespmem:$0xAD0];
	v4 =	vsub.s32 v32, v1;
	v32 =	vsub.s32 v28, v1;
	v20 =	vsel vm1, v6, v0  }
0x112: {  	[tilespmem:$0x1090] =	vst v46;
	v46 =	vld [tilespmem:$0xAE0];
	vm1 =	vmand vm4, vm5;
	v10 =	vadd.s32 v10, v33;
	vm6 =	vgt.s32 v4, $0xFFFFFFFF  }
0x113: {  	[tilespmem:$0x11C0] =	vst v37;
	v37 =	vld [tilespmem:$0xB50];
	vm7 =	vlt.s32 v4, v2;
	v4 =	vadd.s32 v8, v4;
	vm8 =	vgt.s32 v32, $0xFFFFFFFF  }
0x114: {  	[tilespmem:$0x1060] =	vst v45;
	v45 =	vld [tilespmem:$0xA50];
	vm9 =	vlt.s32 v32, v2;
	v33 =	vsub.s32 v29, v1;
	v8 =	vsub.s32 v31, v1  }
0x115: {  	[tilespmem:$0x11A0] =	vst v62;
	v62 =	vld [tilespmem:$0xB40];
	v6 =	vmul.u32 v2, v30;
	vm4 =	vgt.s32 v47, $0xFFFFFFFF;
	vm5 =	vlt.s32 v47, v2  }
0x116: {  	[tilespmem:$0x1000] =	vst v22;
	v9 =	vld [tilespmem:$0xA80];
	v22 =	vsel vm1, v10, v0;
	vm0 =	vmand vm6, vm7;
	vm10 =	vgt.s32 v33, $0xFFFFFFFF  }
0x117: {  	[tilespmem:$0x1030] =	vst v24;
	v5 =	vld [tilespmem:$0xA90];
	vm11 =	vlt.s32 v33, v2;
	vm12 =	vgt.s32 v8, $0xFFFFFFFF;
	vm13 =	vlt.s32 v8, v2  }
0x118: {  	[tilespmem:$0x10C0] =	vst v51;
	v51 =	vld [tilespmem:$0xB80];
	v10 =	vmul.u32 v2, v46;
	v46 =	vsub.s32 v37, v1;
	v24 =	vsel vm0, v4, v0  }
0x119: {  	[tilespmem:$0xFF0] =	vst v27;
	v43 =	vld [tilespmem:$0xB60];
	vm0 =	vmand vm8, vm9;
	vm1 =	vmand vm12, vm13;
	v6 =	vadd.s32 v6, v8  }
0x11a: {  	[tilespmem:$0x10F0] =	vst v52;
	v4 =	vld [tilespmem:$0xAB0];
	v8 =	vmul.u32 v2, v44;
	vm8 =	vgt.s32 v53, $0xFFFFFFFF;
	vm9 =	vlt.s32 v53, v2  }
0x11b: {  	v52 =	vld [tilespmem:$0xB00];
	[tilespmem:$0x11E0] =	vst v12;
	v44 =	vsub.s32 v62, v1;
	v12 =	vadd.s32 v49, v46;
	v9 =	vmul.u32 v2, v9  }
0x11c: {  	[tilespmem:$0x1020] =	vst v25;
	v62 =	vld [tilespmem:$0xCD0];
	v5 =	vmul.u32 v2, v5;
	v26 =	vsel vm1, v6, v0;
	vm1 =	vmand vm4, vm5  }
0x11d: {  	v50 =	vld [tilespmem:$0xC00];
	[tilespmem:$0x1140] =	vst v56;
	v6 =	vmul.u32 v2, v51;
	vm4 =	vgt.s32 v61, $0xFFFFFFFF;
	v9 =	vadd.s32 v9, v32  }
0x11e: {  	v56 =	vld [tilespmem:$0xBA0];
	[tilespmem:$0x1120] =	vst v55;
	vm5 =	vlt.s32 v61, v2;
	v5 =	vadd.s32 v5, v33;
	v25 =	vsel vm0, v9, v0  }
0x11f: {  	[tilespmem:$0x1160] =	vst v60;
	v60 =	vld [tilespmem:$0xBC0];
	vm0 =	vmand vm10, vm11;
	v4 =	vmul.u32 v2, v4;
	v9 =	vmul.u32 v2, v42  }
0x120: {  	[tilespmem:$0x12F0] =	vst v24;
	v24 =	vld [tilespmem:$0xCE0];
	vm10 =	vgt.s32 v54, $0xFFFFFFFF;
	v27 =	vsel vm0, v5, v0;
	v5 =	vsub.s32 v41, v1  }
0x121: {  	v55 =	vld [tilespmem:$0xB10];
	[tilespmem:$0x12A0] =	vst v19;
	vm11 =	vlt.s32 v54, v2;
	v19 =	vmul.u32 v2, v62;
	vm14 =	vgt.s32 v5, $0xFFFFFFFF  }
0x122: {  	[tilespmem:$0x1150] =	vst v58;
	v58 =	vld [tilespmem:$0xBB0];
	vm15 =	vlt.s32 v5, v2;
	v4 =	vadd.s32 v4, v5;
	v9 =	vadd.s32 v9, v47  }
0x123: {  	[tilespmem:$0x1300] =	vst v25;
	v25 =	vld [tilespmem:$0xC60];
	vm0 =	vmand vm14, vm15;
	v28 =	vsel vm1, v9, v0;
	v9 =	vadd.s32 v10, v53  }
0x124: {  	[tilespmem:$0x1210] =	vst v38;
	v5 =	vld [tilespmem:$0xAF0];
	v10 =	vmul.u32 v2, v60;
	v29 =	vsel vm0, v4, v0;
	v4 =	vsub.s32 v45, v1  }
0x125: {  	v38 =	vld [tilespmem:$0xDA0];
	[tilespmem:$0x12C0] =	vst v20;
	v20 =	vmul.u32 v2, v24;
	vm6 =	vgt.s32 v4, $0xFFFFFFFF;
	vm7 =	vlt.s32 v4, v2  }
0x126: {  	[tilespmem:$0x1170] =	vst v59;
	v47 =	vld [tilespmem:$0xB70];
	v4 =	vadd.s32 v8, v4;
	v8 =	vsub.s32 v52, v1;
	v10 =	vadd.s32 v10, v44  }
0x127: {  	v59 =	vld [tilespmem:$0xB30];
	[tilespmem:$0x11B0] =	vst v35;
	vm0 =	vmand vm6, vm7;
	vm12 =	vgt.s32 v8, $0xFFFFFFFF;
	vm13 =	vlt.s32 v8, v2  }
0x128: {  	v35 =	vld [tilespmem:$0xD90];
	[tilespmem:$0x12B0] =	vst v21;
	v6 =	vadd.s32 v6, v8;
	v8 =	vmul.u32 v2, v58;
	v21 =	vsub.s32 v25, v1  }
0x129: {  	v53 =	vld [tilespmem:$0xC10];
	v30 =	vsel vm0, v4, v0;
	vm0 =	vmand vm8, vm9;
	v5 =	vmul.u32 v2, v5  }
0x12a: {  	v60 =	vld [tilespmem:$0xCC0];
	vm1 =	vmand vm12, vm13;
	vm8 =	vgt.s32 v44, $0xFFFFFFFF;
	vm9 =	vlt.s32 v44, v2  }
0x12b: {  	v48 =	vld [tilespmem:$0xD40];
	v52 =	vsub.s32 v47, v1;
	v20 =	vadd.s32 v20, v21;
	v47 =	vmul.u32 v2, v38  }
0x12c: {  	v45 =	vld [tilespmem:$0xBF0];
	v31 =	vsel vm0, v9, v0;
	vm0 =	vmand vm10, vm11;
	v32 =	vsel vm1, v6, v0  }
0x12d: {  	[tilespmem:$0x11D0] =	vst v36;
	v36 =	vld [tilespmem:$0xD10];
	v9 =	vmul.u32 v2, v56;
	vm1 =	vmand vm4, vm5;
	v6 =	vsub.s32 v59, v1  }
0x12e: {  	[tilespmem:$0x1250] =	vst v15;
	v49 =	vld [tilespmem:$0xDD0];
	vm10 =	vgt.s32 v46, $0xFFFFFFFF;
	vm11 =	vlt.s32 v46, v2;
	v56 =	vsub.s32 v50, v1  }
0x12f: {  	[tilespmem:$0x1290] =	vst v18;
	v58 =	vld [tilespmem:$0xCB0];
	v15 =	vsub.s32 v53, v1;
	v18 =	vmul.u32 v2, v60;
	v46 =	vmul.u32 v2, v35  }
0x130: {  	v4 =	vld [tilespmem:$0xB90];
	v5 =	vadd.s32 v5, v54;
	vm6 =	vgt.s32 v6, $0xFFFFFFFF;
	vm7 =	vlt.s32 v6, v2  }
0x131: {  	v44 =	vld [tilespmem:$0xD30];
	v6 =	vadd.s32 v8, v6;
	v8 =	vsub.s32 v43, v1;
	v54 =	vmul.u32 v2, v45  }
0x132: {  	v59 =	vld [tilespmem:$0xC30];
	vm4 =	vgt.s32 v56, $0xFFFFFFFF;
	vm5 =	vlt.s32 v56, v2;
	v13 =	vadd.s32 v13, v56  }
0x133: {  	[tilespmem:$0x1350] =	vst v30;
	v30 =	vld [tilespmem:$0xD80];
	v43 =	vsub.s32 v36, v1;
	v33 =	vsel vm0, v5, v0;
	v5 =	vsub.s32 v55, v1  }
0x134: {  	v53 =	vld [tilespmem:$0xDE0];
	v9 =	vadd.s32 v9, v61;
	vm12 =	vgt.s32 v8, $0xFFFFFFFF;
	vm13 =	vlt.s32 v8, v2  }
0x135: {  	[tilespmem:$0x1270] =	vst v7;
	vm14 =	vgt.s32 v5, $0xFFFFFFFF;
	vm15 =	vlt.s32 v5, v2;
	v7 =	vadd.s32 v54, v52  }
0x136: {  	[tilespmem:$0x1260] =	vst v14;
	v42 =	vld [tilespmem:$0xBE0];
	v14 =	vmul.u32 v2, v58;
	v54 =	vsub.s32 v48, v1;
	v58 =	vmul.u32 v2, v49  }
0x137: {  	v55 =	vld [tilespmem:$0xCA0];
	v4 =	vmul.u32 v2, v4;
	vm0 =	vmand vm14, vm15;
	vm14 =	vgt.s32 v52, $0xFFFFFFFF  }
0x138: {  	[tilespmem:$0x1280] =	vst v16;
	vm15 =	vlt.s32 v52, v2;
	v52 =	vsub.s32 v44, v1;
	v16 =	vsub.s32 v59, v1  }
0x139: {  	v63 =	vld [tilespmem:$0xC50];
	v41 =	vmul.u32 v2, v30;
	v60 =	vmul.u32 v2, v53;
	v4 =	vadd.s32 v4, v5  }
0x13a: {  	v51 =	vld [tilespmem:$0xC90];
	v14 =	vadd.s32 v14, v16;
	v5 =	vsel vm0, v4, v0;
	v4 =	vsel vm1, v9, v0  }
0x13b: {  	[tilespmem:$0x1310] =	vst v27;
	v27 =	vld [tilespmem:$0xCF0];
	vm0 =	vmand vm6, vm7;
	v9 =	vmul.u32 v2, v42;
	vm1 =	vmand vm12, vm13  }
0x13c: {  	[tilespmem:$0x1200] =	vst v11;
	v56 =	vld [tilespmem:$0xDF0];
	vm6 =	vgt.s32 v15, $0xFFFFFFFF;
	vm7 =	vlt.s32 v15, v2;
	v11 =	vmul.u32 v2, v55  }
0x13d: {  	v6 =	vsel vm0, v6, v0;
	vm0 =	vmand vm8, vm9;
	vm8 =	vgt.s32 v17, $0xFFFFFFFF  }
0x13e: {  	[tilespmem:$0x1230] =	vst v39;
	vm9 =	vlt.s32 v17, v2;
	v10 =	vsel vm0, v10, v0;
	vm0 =	vmand vm10, vm11  }
0x13f: {  	[tilespmem:$0x12D0] =	vst v23;
	v8 =	vadd.s32 v9, v8;
	v9 =	vmul.u32 v2, v51;
	v11 =	vadd.s32 v11, v17  }
0x140: {  	[tilespmem:$0x12E0] =	vst v22;
	v45 =	vld [tilespmem:$0xDC0];
	vm10 =	vgt.s32 v16, $0xFFFFFFFF;
	vm11 =	vlt.s32 v16, v2;
	v17 =	vsub.s32 v63, v1  }
0x141: {  	v61 =	vld [tilespmem:$0xC40];
	v16 =	vmul.u32 v2, v27;
	[tilespmem:$0x13B0] =	vst v6;
	v6 =	vadd.s32 v41, v40;
	v63 =	vmul.u32 v2, v56  }
0x142: {  	[tilespmem:$0x1320] =	vst v26;
	v12 =	vsel vm0, v12, v0;
	v8 =	vsel vm1, v8, v0;
	vm0 =	vmand vm14, vm15  }
0x143: {  	[tilespmem:$0x1330] =	vst v29;
	v29 =	vld [tilespmem:$0xC70];
	vm1 =	vmand vm4, vm5;
	vm14 =	vgt.s32 v17, $0xFFFFFFFF;
	vm15 =	vlt.s32 v17, v2  }
0x144: {  	[tilespmem:$0x1340] =	vst v28;
	v42 =	vld [tilespmem:$0xDB0];
	v17 =	vadd.s32 v19, v17;
	vm4 =	vgt.s32 v21, $0xFFFFFFFF;
	vm5 =	vlt.s32 v21, v2  }
0x145: {  	[tilespmem:$0x1360] =	vst v31;
	v55 =	vld [tilespmem:$0xD60];
	v7 =	vsel vm0, v7, v0;
	v13 =	vsel vm1, v13, v0;
	v9 =	vadd.s32 v9, v15  }
0x146: {  	vm0 =	vmand vm6, vm7;
	v15 =	vsub.s32 v61, v1;
	[tilespmem:$0x13E0] =	vst v8;
	v8 =	vmul.u32 v2, v45  }
0x147: {  	[tilespmem:$0x1380] =	vst v32;
	v9 =	vsel vm0, v9, v0;
	vm0 =	vmand vm8, vm9;
	vm12 =	vgt.s32 v15, $0xFFFFFFFF  }
0x148: {  	v39 =	vld [tilespmem:$0xD20];
	[tilespmem:$0x1370] =	vst v33;
	vm13 =	vlt.s32 v15, v2;
	v15 =	vadd.s32 v18, v15;
	v18 =	vsub.s32 v29, v1  }
0x149: {  	vm8 =	vgt.s32 v40, $0xFFFFFFFF;
	vm9 =	vlt.s32 v40, v2;
	[tilespmem:$0x13F0] =	vst v7;
	v7 =	vadd.s32 v46, v43  }
0x14a: {  	[tilespmem:$0x13C0] =	vst v10;
	v10 =	vmul.u32 v2, v42;
	v62 =	vsub.s32 v55, v1;
	v11 =	vsel vm0, v11, v0  }
0x14b: {  	[tilespmem:$0x1390] =	vst v5;
	vm0 =	vmand vm10, vm11;
	vm1 =	vmand vm12, vm13;
	vm6 =	vgt.s32 v18, $0xFFFFFFFF  }
0x14c: {  	[tilespmem:$0x13A0] =	vst v4;
	v51 =	vld [tilespmem:$0xD50];
	vm7 =	vlt.s32 v18, v2;
	v4 =	vadd.s32 v16, v18;
	vm10 =	vgt.s32 v43, $0xFFFFFFFF  }
0x14d: {  	[tilespmem:$0x13D0] =	vst v12;
	vm11 =	vlt.s32 v43, v2;
	v16 =	vsub.s32 v39, v1;
	v8 =	vadd.s32 v8, v54  }
0x14e: {  	[tilespmem:$0x1400] =	vst v13;
	v14 =	vsel vm0, v14, v0;
	v15 =	vsel vm1, v15, v0;
	vm0 =	vmand vm14, vm15  }
0x14f: {  	[tilespmem:$0x1410] =	vst v9;
	vm1 =	vmand vm4, vm5;
	vm12 =	vgt.s32 v16, $0xFFFFFFFF;
	vm13 =	vlt.s32 v16, v2  }
0x150: {  	v50 =	vadd.s32 v47, v16;
	[tilespmem:$0x1420] =	vst v11;
	vm14 =	vgt.s32 v52, $0xFFFFFFFF;
	vm15 =	vlt.s32 v52, v2  }
0x151: {  	vm4 =	vgt.s32 v54, $0xFFFFFFFF;
	vm5 =	vlt.s32 v54, v2;
	v57 =	vsub.s32 v51, v1;
	[tilespmem:$0x1430] =	vst v14  }
0x152: {  	v5 =	vsel vm0, v17, v0;
	v37 =	vsel vm1, v20, v0;
	vm0 =	vmand vm6, vm7;
	[tilespmem:$0x1440] =	vst v15  }
0x153: {  	vm1 =	vmand vm12, vm13;
	vm6 =	vmand vm4, vm5;
	vm7 =	vgt.s32 v57, $0xFFFFFFFF;
	[tilespmem:$0x1450] =	vst v5  }
0x154: {  	v59 =	vld [tilespmem:$0xD70];
	v4 =	vsel vm0, v4, v0;
	vm0 =	vmand vm8, vm9;
	v9 =	vsel vm1, v50, v0;
	[tilespmem:$0x1460] =	vst v37  }
0x155: {  	v5 =	vadd.s32 v10, v52;
	vm8 =	vlt.s32 v57, v2;
	v61 =	vsel vm6, v8, v0;
	[tilespmem:$0x1470] =	vst v4  }
0x156: {  	v6 =	vsel vm0, v6, v0;
	vm0 =	vmand vm10, vm11;
	vm9 =	vmand vm7, vm8;
	[tilespmem:$0x14A0] =	vst v9  }
0x157: {  	vm10 =	vgt.s32 v62, $0xFFFFFFFF;
	[tilespmem:$0x14C0] =	vst v61;
	v7 =	vsel vm0, v7, v0;
	vm0 =	vmand vm14, vm15  }
0x158: {  	vm11 =	vlt.s32 v62, v2;
	[tilespmem:$0x1480] =	vst v6;
	v4 =	vsel vm0, v5, v0;
	v5 =	vadd.s32 v58, v57  }
0x159: {  	v6 =	vadd.s32 v60, v62;
	[tilespmem:$0x14B0] =	vst v4;
	v4 =	vsel vm9, v5, v0;
	v5 =	vsub.s32 v59, v1  }
0x15a: {  	vm12 =	vmand vm10, vm11;
	[tilespmem:$0x1490] =	vst v7;
	vm13 =	vgt.s32 v5, $0xFFFFFFFF;
	vm14 =	vlt.s32 v5, v2  }
0x15b: {  	v6 =	vsel vm12, v6, v0;
	[tilespmem:$0x14D0] =	vst v4;
	v4 =	vadd.s32 v63, v5;
	vm15 =	vmand vm13, vm14  }
0x15c: {  	[tilespmem:$0x14E0] =	vst v6;
	v4 =	vsel vm15, v4, v0  }
0x15d: {  	[tilespmem:$0x14F0] =	vst v4  }
0x15e: {  	_ =	swait.ge [sflag:s14], $0x1C00  }
0x15f: {  	[sflag:s14] =	ssyncset.done $0x0  }
0x160: {  	[sflag:s14] =	ssyncadd.s32 $0xFFFFE400  }
0x161: {  	_ =	swait.ge [sflag:s14], $0x1C00  }
0x162: {  	[sflag:s14] =	ssyncset.done $0x0  }
0x163: {  	[sflag:s14] =	ssyncadd.s32 $0xFFFFE400  }
0x164: {  	_ =	swait.ge [sflag:s14], $0x1C00  }
0x165: {  	[sflag:s14] =	ssyncset.done $0x0  }
0x166: {  	[sflag:s14] =	ssyncadd.s32 $0xFFFFE400  }
0x167: {  	s20 =	simm.s32 $0xE00;
	[bflag:$0x0] =	sbarrier.arrive $0xFFFF  }
0x168: {  	[spmem:s1] =	stream.indirect.scatter.add.f32 [tilespmem:s17], [sflag:$0x1], $0x1, s20, s15, $0xb8;
	[tilespmem:$0xA280] =	vst v63  }
0x169: {  	s23 =	simm.s32 $0xE80  }
0x16a: {  	[spmem:s1] =	stream.indirect.scatter.add.f32 [tilespmem:s17], [sflag:$0x1], $0x1, s23, s15, $0xb8;
	[tilespmem:$0xA280] =	vst v63  }
0x16b: {  	s24 =	simm.s32 $0xF00  }
0x16c: {  	[spmem:s1] =	stream.indirect.scatter.add.f32 [tilespmem:s17], [sflag:$0x1], $0x1, s24, s15, $0xb8;
	[tilespmem:$0xA280] =	vst v63  }
0x16d: {  	s20 =	simm.s32 $0xF80  }
0x16e: {  	[spmem:s1] =	stream.indirect.scatter.add.f32 [tilespmem:s17], [sflag:$0x1], $0x1, s20, s15, $0xb8;
	[tilespmem:$0xA280] =	vst v63  }
0x16f: {  	s23 =	simm.s32 $0x1000  }
0x170: {  	[spmem:s1] =	stream.indirect.scatter.add.f32 [tilespmem:s17], [sflag:$0x1], $0x1, s23, s15, $0xb8;
	[tilespmem:$0xA280] =	vst v63  }
0x171: {  	s24 =	simm.s32 $0x1080  }
0x172: {  	[spmem:s1] =	stream.indirect.scatter.add.f32 [tilespmem:s17], [sflag:$0x1], $0x1, s24, s15, $0xb8;
	[tilespmem:$0xA280] =	vst v63  }
0x173: {  	_ = 	snop  }
0x174: {  	[spmem:s1] =	stream.indirect.scatter.add.f32 [tilespmem:s17], [sflag:$0x1], $0x1, s25, s15, $0xb8;
	[tilespmem:$0xA280] =	vst v63  }
0x175: {  	_ = 	snop  }
0x176: {  	[spmem:s1] =	stream.indirect.scatter.add.f32 [tilespmem:s17], [sflag:$0x1], $0x1, s26, s15, $0xb8;
	[tilespmem:$0xA280] =	vst v63  }
0x177: {  	_ = 	snop  }
0x178: {  	[spmem:s1] =	stream.indirect.scatter.add.f32 [tilespmem:s17], [sflag:$0x1], $0x1, s28, s15, $0xb8;
	[tilespmem:$0xA280] =	vst v63  }
0x179: {  	_ = 	snop  }
0x17a: {  	[spmem:s1] =	stream.indirect.scatter.add.f32 [tilespmem:s17], [sflag:$0x1], $0x1, s29, s15, $0xb8;
	[tilespmem:$0xA280] =	vst v63  }
0x17b: {  	_ = 	snop  }
0x17c: {  	[spmem:s1] =	stream.indirect.scatter.add.f32 [tilespmem:s17], [sflag:$0x1], $0x1, s30, s15, $0xb8;
	[tilespmem:$0xA280] =	vst v63  }
0x17d: {  	_ = 	snop  }
0x17e: {  	[spmem:s1] =	stream.indirect.scatter.add.f32 [tilespmem:s17], [sflag:$0x1], $0x1, s31, s15, $0xb8;
	[tilespmem:$0xA280] =	vst v63  }
0x17f: {  	_ = 	snop  }
0x180: {  	[spmem:s1] =	stream.indirect.scatter.add.f32 [tilespmem:s17], [sflag:$0x1], $0x1, s0, s15, $0xb8;
	[tilespmem:$0xA280] =	vst v63  }
0x181: {  	_ = 	snop  }
0x182: {  	[spmem:s1] =	stream.indirect.scatter.add.f32 [tilespmem:s17], [sflag:$0x1], $0x1, s3, s15, $0xb8;
	[tilespmem:$0xA280] =	vst v63  }
0x183: {  	_ =	swait.ge [sflag:s14], $0x80  }
0x184: {  	[sflag:s14] =	ssyncset.done $0x0  }
0x185: {  	[sflag:s14] =	ssyncadd.s32 $0xFFFFFF80  }
0x186: {  	_ =	swait.ge [sflag:s14], $0x80  }
0x187: {  	[sflag:s14] =	ssyncset.done $0x0  }
0x188: {  	[sflag:s14] =	ssyncadd.s32 $0xFFFFFF80  }
0x189: {  	_ =	swait.ge [sflag:s14], $0x80  }
0x18a: {  	[sflag:s14] =	ssyncset.done $0x0  }
0x18b: {  	[sflag:s14] =	ssyncadd.s32 $0xFFFFFF80  }
0x18c: {  	_ =	swait.ge [sflag:s14], $0x80  }
0x18d: {  	[sflag:s14] =	ssyncset.done $0x0  }
0x18e: {  	[sflag:s14] =	ssyncadd.s32 $0xFFFFFF80  }
0x18f: {  	_ =	swait.ge [sflag:s14], $0x80  }
0x190: {  	[sflag:s14] =	ssyncset.done $0x0  }
0x191: {  	[sflag:s14] =	ssyncadd.s32 $0xFFFFFF80  }
0x192: {  	_ =	swait.ge [sflag:s14], $0x80  }
0x193: {  	[sflag:s14] =	ssyncset.done $0x0  }
0x194: {  	[sflag:s14] =	ssyncadd.s32 $0xFFFFFF80  }
0x195: {  	_ =	swait.ge [sflag:s14], $0x80  }
0x196: {  	[sflag:s14] =	ssyncset.done $0x0  }
0x197: {  	[sflag:s14] =	ssyncadd.s32 $0xFFFFFF80  }
0x198: {  	_ =	swait.ge [sflag:s14], $0x80  }
0x199: {  	[sflag:s14] =	ssyncset.done $0x0  }
0x19a: {  	[sflag:s14] =	ssyncadd.s32 $0xFFFFFF80  }
0x19b: {  	_ =	swait.ge [sflag:s14], $0x80  }
0x19c: {  	[sflag:s14] =	ssyncset.done $0x0  }
0x19d: {  	[sflag:s14] =	ssyncadd.s32 $0xFFFFFF80  }
0x19e: {  	_ =	swait.ge [sflag:s14], $0x80  }
0x19f: {  	[sflag:s14] =	ssyncset.done $0x0  }
0x1a0: {  	[sflag:s14] =	ssyncadd.s32 $0xFFFFFF80  }
0x1a1: {  	_ =	swait.ge [sflag:s14], $0x80  }
0x1a2: {  	[sflag:s14] =	ssyncset.done $0x0  }
0x1a3: {  	[sflag:s14] =	ssyncadd.s32 $0xFFFFFF80  }
0x1a4: {  	_ =	swait.ge [sflag:s14], $0x80  }
0x1a5: {  	[sflag:s14] =	ssyncset.done $0x0  }
0x1a6: {  	[sflag:s14] =	ssyncadd.s32 $0xFFFFFF80  }
0x1a7: {  	_ =	swait.ge [sflag:s14], $0x80  }
0x1a8: {  	[sflag:s14] =	ssyncset.done $0x0  }
0x1a9: {  	[sflag:s14] =	ssyncadd.s32 $0xFFFFFF80  }
0x1aa: {  	_ =	swait.ge [sflag:s14], $0x80  }
0x1ab: {  	s19 =	sshll.u32 @p0 s2, $0x6;
	[sflag:s14] =	ssyncset.done $0x0  }
0x1ac: {  	s19 =	sor.u32 @p0 $0x1C02, s19;
	s20 =	simm.s32 @p0 $0x1;
	[sflag:s14] =	ssyncadd.s32 $0xFFFFFF80  }
0x1ad: {  	s23 =	simm.s32 @p0 $0x80;
	s24 =	simm.s32 @p0 $0x10;
	[bflag:$0x0] =	sbarrier.arrive $0xFFFF  }
0x1ae: {  	[hbm:s9@s23], [sflag:s19] =	dma.strided @p0 [spmem:s21@s24], $0xA80, s20, $0x10   }
0x1af: {  	s19 =	simm.s32 @p0 $0x2  }
0x1b0: {  	s16 =	sadd.s32 $0x1, s16;
	_ =	swait.ge @p0 [sflag:s19], $0xA80  }
0x1b1: {  	p1 =	sne.s32 s16, s11;
	s20 =	sshll.u32 @!p0 s2, $0x6;
	[sflag:s19] =	ssyncset.done @p0 $0x0  }
0x1b2: {  	s23 =	simm.s32 @!p0 $0x80;
	s24 =	simm.s32 @!p0 $0x10;
	[sflag:s19] =	ssyncadd.s32 @p0 $0xFFFFF580  }
.Ltmp1:
0x1b3: {  	s19 =	sor.u32 @!p0 $0x1C02, s20;
	s20 =	simm.s32 @!p0 $0x1;
	(pc) =	sbr.rel @p1 .LBB2_1-.Ltmp1, $4  }
0x1b4: {  	[hbm:s10@s23], [sflag:s19] =	dma.strided @!p0 [spmem:s22@s24], $0xE00, s20, $0x10   }
0x1b5: {  	_ =	swait.ge @!p0 [sflag:s18], $0xE00  }
0x1b6: {  	[sflag:s18] =	ssyncset.done @!p0 $0x0  }
0x1b7: {  	[sflag:s18] =	ssyncadd.s32 @!p0 $0xFFFFF200  }
0x1b8: {  	_ =	sfence.sel $0x180000  }
0x1b9: {  	[bflag:$0x0] =	sbarrier.arrive $0xFFFF  }
0x1ba: {  	_ =	strace $0x90000047  }
0x1bb: {  	[bflag:$0x2] =	sbarrier.arrive $0xFFFF  }
0x1bc: {  	p0 =	sne.s32 s2, $0x0;
	s0 =	rddreg [dreg:$0x3]  }
0x1bd: {  	s0 =	sadd.s32 @!p0 $0x100000, s0  }
0x1be: {  	[sflag:s0] =	ssyncadd.tile.s32 @!p0 $0x1;
	_ =	shalt  }
.Lfunc_end2:
_tile_overlayer_lowered:
.L_overlay_start_2:
0x1bf: {  	(tag) =	ssettag $0x2  }
0x1c0: {  	s0 =	rddreg [dreg:$0x0];
	s2 =	stileid.u32  }
0x1c1: {  	s1 =	rddreg [dreg:$0x1];
	p0 =	sne.s32 s2, $0x0  }
0x1c2: {  	s3 =	rddreg [dreg:$0x2];
	[bflag:$0x3] =	sbarrier.arrive $0xFFFF;
	s2 =	simm.s32 @!p0 $0x1C02  }
0x1c3: {  	[timem:s3], [sflag:s2] =	dma.local @!p0 [hbm:s0], s1  }
0x1c4: {  	s0 =	simm.s32 @!p0 $0x2  }
0x1c5: {  	_ =	swait.ge @!p0 [sflag:s0], s1  }
0x1c6: {  	s1 =	ssub.s32 @!p0 $0x0, s1;
	[sflag:s0] =	ssyncset.done @!p0 $0x0  }
0x1c7: {  	[sflag:s0] =	ssyncadd.s32 @!p0 s1  }
0x1c8: {  	[bflag:$0x3] =	sbarrier.arrive $0xFFFF  }
0x1c9: {  	_ =	shalt  }

</sc_bundles>
